<compile_context>
chip_gen: v7x
topology: tpu7x:2x2x1
jax: 0.10.2.dev20260603
libtpu: 0.0.44.dev20260713+nightly
codegen_flags: <defaults>
</compile_context>

<pallas_src>
import functools

import jax
import jax.numpy as jnp
from jax import lax
from jax.experimental import pallas as pl
from jax.experimental.pallas import tpu as pltpu
from jax.experimental.pallas import tpu_sc as plsc

HIDDEN = 1024
NUM_NEW = 512
START = 99488

_NC = 2
_NS = 16
_NW = _NC * _NS


def _encode_body(sem_ref, prof_ref, w_ref, b_ref, out_ref):
    out_ref[...] = (
        sem_ref[...]
        + jnp.dot(prof_ref[...], w_ref[...], preferred_element_type=jnp.float32)
        + b_ref[...]
    )


def _encode(tool_semantics, profiles, W_pe, b_pe):
    return pl.pallas_call(
        _encode_body,
        out_shape=jax.ShapeDtypeStruct((NUM_NEW, HIDDEN), jnp.float32),
    )(tool_semantics, profiles, W_pe, b_pe.reshape(1, HIDDEN))


def _make_sc_gather(n_tokens):
    tok_w = n_tokens // _NW
    C = 8
    NB = 8
    F = 16
    n_chunks = tok_w // C
    n_super = n_chunks // NB
    n_groups = tok_w // 16
    mesh = plsc.VectorSubcoreMesh(
        core_axis_name="c", subcore_axis_name="s",
        num_cores=_NC, num_subcores=_NS)

    @functools.partial(
        pl.kernel,
        out_type=jax.ShapeDtypeStruct((n_tokens, HIDDEN), jnp.float32),
        mesh=mesh,
        scratch_types=[
            pltpu.VMEM((tok_w,), jnp.int32),
            pltpu.VMEM((NB, C, HIDDEN), jnp.float32),
            pltpu.VMEM((F, HIDDEN), jnp.float32),
            pltpu.VMEM((tok_w + F,), jnp.int32),
            [pltpu.SemaphoreType.DMA] * NB,
            [pltpu.SemaphoreType.DMA] * NB,
            pltpu.SemaphoreType.DMA,
        ],
        compiler_params=pltpu.CompilerParams(needs_layout_passes=False),
    )
    def body(ids_hbm, emb_hbm, new_hbm, out_hbm,
             ids_v, rows_v, fix_v, cmb_b, gsems, ssems, fsem):
        wid = lax.axis_index("s") * _NC + lax.axis_index("c")
        base = wid * tok_w
        w_per_row = ids_hbm.shape[1] // tok_w
        pltpu.sync_copy(
            ids_hbm.at[wid // w_per_row,
                       pl.ds((wid % w_per_row) * tok_w, tok_w)],
            ids_v)

        for b in range(NB):
            pltpu.async_copy(
                emb_hbm.at[ids_v.at[pl.ds(b * C, C)]], rows_v.at[b], gsems[b]
            )

        def compact(g, carry):
            n, last = carry
            idv = ids_v[pl.ds(g * 16, 16)]
            m = idv >= START
            ones = jnp.where(m, jnp.int32(1), jnp.int32(0))
            prefix = plsc.cumsum(ones)
            tgt = jnp.maximum(n + prefix - 1, 0)
            posv = base + g * 16 + lax.iota(jnp.int32, 16)
            cmbv = posv * 1024 + (idv - START)
            plsc.store_scatter(cmb_b, [tgt], cmbv, mask=m)
            gmax = jnp.max(jnp.where(m, cmbv, jnp.int32(-1)))
            return n + jnp.sum(ones), jnp.maximum(last, gmax)

        n_new, last_cmb = lax.fori_loop(
            0, n_groups, compact, (jnp.int32(0), jnp.int32(0)))

        cmb_b[pl.ds(n_new, F)] = jnp.zeros((F,), jnp.int32) + last_cmb

        for b in range(NB):
            pltpu.make_async_copy(
                emb_hbm.at[ids_v.at[pl.ds(b * C, C)]], rows_v.at[b], gsems[b]
            ).wait()
            pltpu.async_copy(
                rows_v.at[b], out_hbm.at[pl.ds(base + b * C, C)], ssems[b]
            )

        def super_iter(g, carry):
            for b in range(NB):
                k = g * NB + b
                pltpu.make_async_copy(
                    rows_v.at[b], out_hbm.at[pl.ds(base, C)], ssems[b]
                ).wait()
                pltpu.async_copy(
                    emb_hbm.at[ids_v.at[pl.ds(k * C, C)]], rows_v.at[b], gsems[b]
                )
            for b in range(NB):
                k = g * NB + b
                pltpu.make_async_copy(
                    emb_hbm.at[ids_v.at[pl.ds(k * C, C)]], rows_v.at[b], gsems[b]
                ).wait()
                pltpu.async_copy(
                    rows_v.at[b], out_hbm.at[pl.ds(base + k * C, C)], ssems[b]
                )
            return carry

        lax.fori_loop(1, n_super, super_iter, 0)
        for b in range(NB):
            pltpu.make_async_copy(
                rows_v.at[b], out_hbm.at[pl.ds(base, C)], ssems[b]
            ).wait()

        n_fix = (n_new + F - 1) // F

        def fix_chunk(k, carry):
            cmbv = cmb_b[pl.ds(k * F, F)]
            relv = jnp.bitwise_and(cmbv, jnp.int32(1023))
            posv = jnp.right_shift(cmbv, jnp.int32(10))
            pltpu.async_copy(new_hbm.at[relv], fix_v, fsem).wait()
            pltpu.async_copy(fix_v, out_hbm.at[posv], fsem).wait()
            return carry

        lax.fori_loop(0, n_fix, fix_chunk, 0)

    return body


def kernel(input_ids, emb_table, tool_semantics, profiles, W_pe, b_pe):
    b, s = input_ids.shape
    n = b * s
    new_embeds = _encode(tool_semantics, profiles, W_pe, b_pe)
    if input_ids.dtype != jnp.int32:
        input_ids = input_ids.astype(jnp.int32)
    out = _make_sc_gather(n)(input_ids, emb_table, new_embeds)
    return out.reshape(b, s, HIDDEN)

# --- scband reference (transcript-rebuilt; emitter-appended) ---
"""Pipeline reference for scband-dynamic-tool-embedding-70489003261953 (READ-ONLY COPY).

The authoritative reference and input builder live on the scoring server;
editing this copy changes nothing except your own understanding.
"""

import jax, jax.numpy as jnp
import numpy as np

VOCAB = 100000
HIDDEN = 1024
PROFILE_DIM = 64
NUM_NEW = 512
START = 99488
B = 4
S = 8192


def setup_inputs(seed: int = 0) -> dict:
    key = jax.random.key(seed)
    ks = jax.random.split(key, 6)
    input_ids = jax.random.randint(ks[0], (B, S), 0, VOCAB, dtype=jnp.int64 if jax.config.jax_enable_x64 else jnp.int32)
    emb_table = jax.random.normal(ks[1], (VOCAB, HIDDEN), dtype=jnp.float32) * 0.02
    tool_semantics = jax.random.normal(ks[2], (NUM_NEW, HIDDEN), dtype=jnp.float32) * 0.02
    profiles = jax.random.uniform(ks[3], (NUM_NEW, PROFILE_DIM), dtype=jnp.float32)
    W_pe = jax.random.normal(ks[4], (PROFILE_DIM, HIDDEN), dtype=jnp.float32) * 0.02
    b_pe = jnp.zeros((HIDDEN,), dtype=jnp.float32)
    return {"input_ids": input_ids, "emb_table": emb_table, "tool_semantics": tool_semantics,
            "profiles": profiles, "W_pe": W_pe, "b_pe": b_pe}


def reference(input_ids, emb_table, tool_semantics, profiles, W_pe, b_pe):
    # original_embedding(input_ids)
    inputs_embeds = jnp.take(emb_table, input_ids, axis=0)
    # mask for virtual tool tokens
    is_new = input_ids >= START
    rel = jnp.where(is_new, input_ids - START, 0)
    current_semantics = jnp.take(tool_semantics, rel, axis=0)
    current_profiles = jnp.take(profiles, rel, axis=0)
    # profile_encoder: Linear(profile_dim -> hidden_dim)
    profile_deltas = current_profiles @ W_pe + b_pe
    new_token_embeds = current_semantics + profile_deltas
    # scatter-overwrite masked positions (where-based, math-identical to boolean assignment)
    out = jnp.where(is_new[..., None], new_token_embeds, inputs_embeds)
    return out

if __name__ == "__main__":
    import jax
    _d = setup_inputs()
    print(jax.jit(kernel)(*tuple(_d.values())))

</pallas_src>

<mosaic_0001>
#map = affine_map<(d0, d1) -> (0, 0)>
module attributes {stable_mosaic.version = 14 : i64} {
  func.func @body(%arg0: i32, %arg1: i32, %arg2: memref<4x8192xi32, #tpu.memory_space<hbm>>, %arg3: memref<100000x1024xf32, #tpu.memory_space<hbm>>, %arg4: memref<512x1024xf32, #tpu.memory_space<hbm>>, %arg5: memref<32768x1024xf32, #tpu.memory_space<hbm>>, %arg6: memref<1024xi32, #tpu.memory_space<vmem>>, %arg7: memref<8x8x1024xf32, #tpu.memory_space<vmem>>, %arg8: memref<16x1024xf32, #tpu.memory_space<vmem>>, %arg9: memref<1040xi32, #tpu.memory_space<vmem>>, %arg10: memref<!tpu.dma_semaphore, #tpu.memory_space<semaphore_mem>>, %arg11: memref<!tpu.dma_semaphore, #tpu.memory_space<semaphore_mem>>, %arg12: memref<!tpu.dma_semaphore, #tpu.memory_space<semaphore_mem>>, %arg13: memref<!tpu.dma_semaphore, #tpu.memory_space<semaphore_mem>>, %arg14: memref<!tpu.dma_semaphore, #tpu.memory_space<semaphore_mem>>, %arg15: memref<!tpu.dma_semaphore, #tpu.memory_space<semaphore_mem>>, %arg16: memref<!tpu.dma_semaphore, #tpu.memory_space<semaphore_mem>>, %arg17: memref<!tpu.dma_semaphore, #tpu.memory_space<semaphore_mem>>, %arg18: memref<!tpu.dma_semaphore, #tpu.memory_space<semaphore_mem>>, %arg19: memref<!tpu.dma_semaphore, #tpu.memory_space<semaphore_mem>>, %arg20: memref<!tpu.dma_semaphore, #tpu.memory_space<semaphore_mem>>, %arg21: memref<!tpu.dma_semaphore, #tpu.memory_space<semaphore_mem>>, %arg22: memref<!tpu.dma_semaphore, #tpu.memory_space<semaphore_mem>>, %arg23: memref<!tpu.dma_semaphore, #tpu.memory_space<semaphore_mem>>, %arg24: memref<!tpu.dma_semaphore, #tpu.memory_space<semaphore_mem>>, %arg25: memref<!tpu.dma_semaphore, #tpu.memory_space<semaphore_mem>>, %arg26: memref<!tpu.dma_semaphore, #tpu.memory_space<semaphore_mem>>) attributes {dimension_semantics = [#tpu.dimension_semantics<core_parallel>, #tpu.dimension_semantics<subcore_parallel>], iteration_bounds = array<i64: 2, 16>, scalar_prefetch = 0 : i64, scratch_operands = 21 : i64, tpu.core_type = #tpu.core_type<sc_vector_subcore>, window_params = [{transform_indices = #map}, {transform_indices = #map}, {transform_indices = #map}, {transform_indices = #map}]} {
    %mul3A = arith.constant 2 : i32
    %mul3A_0 = arith.muli %arg1, %mul3A : i32
    %add3A = arith.addi %mul3A_0, %arg0 : i32
    %mul3A_1 = arith.constant 1024 : i32
    %mul3A_2 = arith.muli %add3A, %mul3A_1 : i32
    %jit3A = arith.constant 8 : i32
    %div3A = arith.divsi %add3A, %jit3A : i32
    %sign3A = arith.constant 0 : i32
    %sign3A_3 = arith.cmpi sgt, %add3A, %sign3A : i32
    %sign3A_4 = arith.extui %sign3A_3 : i1 to i32
    %sign3A_5 = arith.constant 0 : i32
    %sign3A_6 = arith.cmpi slt, %add3A, %sign3A_5 : i32
    %sign3A_7 = arith.extui %sign3A_6 : i1 to i32
    %sign3A_8 = arith.subi %sign3A_4, %sign3A_7 : i32
    %sign3A_9 = arith.constant 0 : i32
    %sign3A_10 = arith.cmpi sgt, %jit3A, %sign3A_9 : i32
    %sign3A_11 = arith.extui %sign3A_10 : i1 to i32
    %sign3A_12 = arith.constant 0 : i32
    %sign3A_13 = arith.cmpi slt, %jit3A, %sign3A_12 : i32
    %sign3A_14 = arith.extui %sign3A_13 : i1 to i32
    %sign3A_15 = arith.subi %sign3A_11, %sign3A_14 : i32
    %ne3A = arith.cmpi ne, %sign3A_8, %sign3A_15 : i32
    %rem3A = arith.remsi %add3A, %jit3A : i32
    %ne3A_16 = arith.constant 0 : i32
    %ne3A_17 = arith.cmpi ne, %rem3A, %ne3A_16 : i32
    %and3A = arith.andi %ne3A, %ne3A_17 : i1
    %sub3A = arith.constant 1 : i32
    %sub3A_18 = arith.subi %div3A, %sub3A : i32
    %select_n3A = arith.select %and3A, %sub3A_18, %div3A : i32
    %jit3A_19 = arith.constant 8 : i32
    %eq3A = arith.constant 0 : i32
    %eq3A_20 = arith.cmpi eq, %jit3A_19, %eq3A : i32
    %jit3A_21 = arith.constant 1 : i32
    %select_n3A_22 = arith.select %eq3A_20, %jit3A_21, %jit3A_19 : i32
    %rem3A_23 = arith.remsi %add3A, %select_n3A_22 : i32
    %ne3A_24 = arith.constant 0 : i32
    %ne3A_25 = arith.cmpi ne, %rem3A_23, %ne3A_24 : i32
    %lt3A = arith.constant 0 : i32
    %lt3A_26 = arith.cmpi slt, %rem3A_23, %lt3A : i32
    %lt3A_27 = arith.constant 0 : i32
    %lt3A_28 = arith.cmpi slt, %select_n3A_22, %lt3A_27 : i32
    %ne3A_29 = arith.xori %lt3A_26, %lt3A_28 : i1
    %and3A_30 = arith.andi %ne3A_29, %ne3A_25 : i1
    %add3A_31 = arith.addi %rem3A_23, %select_n3A_22 : i32
    %select_n3A_32 = arith.select %and3A_30, %add3A_31, %rem3A_23 : i32
    %mul3A_33 = arith.constant 1024 : i32
    %mul3A_34 = arith.muli %select_n3A_32, %mul3A_33 : i32
    "tpu.region"() ({
      %run_scoped3A = tpu.sem_alloc : memref<!tpu.dma_semaphore, #tpu.memory_space<semaphore_mem>>
      %dma_start3A_471 = tpu.memref_slice %arg2[%select_n3A, %mul3A_34] : memref<4x8192xi32, #tpu.memory_space<hbm>> -> memref<1x1024xi32, #tpu.memory_space<hbm>>
      %dma_start3A_472 = tpu.memref_squeeze %dma_start3A_471 : memref<1x1024xi32, #tpu.memory_space<hbm>> -> memref<1024xi32, #tpu.memory_space<hbm>>
      %dma_start3A_473 = tpu.memref_slice %arg2[%select_n3A, %mul3A_34] : memref<4x8192xi32, #tpu.memory_space<hbm>> -> memref<1x1024xi32, #tpu.memory_space<hbm>>
      %dma_start3A_474 = tpu.memref_squeeze %dma_start3A_473 : memref<1x1024xi32, #tpu.memory_space<hbm>> -> memref<1024xi32, #tpu.memory_space<hbm>>
      tpu.enqueue_dma source(%dma_start3A_474 : memref<1024xi32, #tpu.memory_space<hbm>>) target(%arg6 : memref<1024xi32, #tpu.memory_space<vmem>>) target_semaphore(%run_scoped3A : memref<!tpu.dma_semaphore, #tpu.memory_space<semaphore_mem>>)
      %dma_wait3A_475 = tpu.memref_slice %arg2[%select_n3A, %mul3A_34] : memref<4x8192xi32, #tpu.memory_space<hbm>> -> memref<1x1024xi32, #tpu.memory_space<hbm>>
      %dma_wait3A_476 = tpu.memref_squeeze %dma_wait3A_475 : memref<1x1024xi32, #tpu.memory_space<hbm>> -> memref<1024xi32, #tpu.memory_space<hbm>>
      %dma_wait3A_477 = tpu.memref_slice %arg2[%select_n3A, %mul3A_34] : memref<4x8192xi32, #tpu.memory_space<hbm>> -> memref<1x1024xi32, #tpu.memory_space<hbm>>
      %dma_wait3A_478 = tpu.memref_squeeze %dma_wait3A_477 : memref<1x1024xi32, #tpu.memory_space<hbm>> -> memref<1024xi32, #tpu.memory_space<hbm>>
      tpu.wait_dma2 semaphore(%run_scoped3A : memref<!tpu.dma_semaphore, #tpu.memory_space<semaphore_mem>>) src(%dma_wait3A_478 : memref<1024xi32, #tpu.memory_space<hbm>>) dst(%arg6 : memref<1024xi32, #tpu.memory_space<vmem>>)
      tpu.yield
    }) : () -> ()
    %dma_start3A = arith.constant 0 : i32
    %dma_start3A_35 = arith.constant 0 : i32
    %dma_start3A_36 = arith.constant 0 : i32
    %dma_start3A_37 = tpu.memref_slice %arg7[%dma_start3A, %dma_start3A_35, %dma_start3A_36] : memref<8x8x1024xf32, #tpu.memory_space<vmem>> -> memref<1x8x1024xf32, #tpu.memory_space<vmem>>
    %dma_start3A_38 = tpu.memref_squeeze %dma_start3A_37 : memref<1x8x1024xf32, #tpu.memory_space<vmem>> -> memref<8x1024xf32, #tpu.memory_space<vmem>>
    %dma_start3A_39 = arith.constant 0 : i32
    %dma_start3A_40 = tpu.memref_slice %arg6[%dma_start3A_39] : memref<1024xi32, #tpu.memory_space<vmem>> -> memref<8xi32, #tpu.memory_space<vmem>>
    %dma_start3A_41 = arith.constant 0 : i32
    %dma_start3A_42 = arith.constant 0 : i32
    %dma_start3A_43 = tpu.memref_slice %arg3[%dma_start3A_41, %dma_start3A_42] : memref<100000x1024xf32, #tpu.memory_space<hbm>> -> memref<100000x1024xf32, #tpu.memory_space<hbm>>
    tpu.enqueue_indirect_dma source(%dma_start3A_43 : memref<100000x1024xf32, #tpu.memory_space<hbm>>) target(%dma_start3A_38 : memref<8x1024xf32, #tpu.memory_space<vmem>>) offsets(%dma_start3A_40 : memref<8xi32, #tpu.memory_space<vmem>>) semaphore(%arg10 : memref<!tpu.dma_semaphore, #tpu.memory_space<semaphore_mem>>)
    %dma_start3A_44 = arith.constant 1 : i32
    %dma_start3A_45 = arith.constant 0 : i32
    %dma_start3A_46 = arith.constant 0 : i32
    %dma_start3A_47 = tpu.memref_slice %arg7[%dma_start3A_44, %dma_start3A_45, %dma_start3A_46] : memref<8x8x1024xf32, #tpu.memory_space<vmem>> -> memref<1x8x1024xf32, #tpu.memory_space<vmem>>
    %dma_start3A_48 = tpu.memref_squeeze %dma_start3A_47 : memref<1x8x1024xf32, #tpu.memory_space<vmem>> -> memref<8x1024xf32, #tpu.memory_space<vmem>>
    %dma_start3A_49 = arith.constant 8 : i32
    %dma_start3A_50 = tpu.memref_slice %arg6[%dma_start3A_49] : memref<1024xi32, #tpu.memory_space<vmem>> -> memref<8xi32, #tpu.memory_space<vmem>>
    %dma_start3A_51 = arith.constant 0 : i32
    %dma_start3A_52 = arith.constant 0 : i32
    %dma_start3A_53 = tpu.memref_slice %arg3[%dma_start3A_51, %dma_start3A_52] : memref<100000x1024xf32, #tpu.memory_space<hbm>> -> memref<100000x1024xf32, #tpu.memory_space<hbm>>
    tpu.enqueue_indirect_dma source(%dma_start3A_53 : memref<100000x1024xf32, #tpu.memory_space<hbm>>) target(%dma_start3A_48 : memref<8x1024xf32, #tpu.memory_space<vmem>>) offsets(%dma_start3A_50 : memref<8xi32, #tpu.memory_space<vmem>>) semaphore(%arg11 : memref<!tpu.dma_semaphore, #tpu.memory_space<semaphore_mem>>)
    %dma_start3A_54 = arith.constant 2 : i32
    %dma_start3A_55 = arith.constant 0 : i32
    %dma_start3A_56 = arith.constant 0 : i32
    %dma_start3A_57 = tpu.memref_slice %arg7[%dma_start3A_54, %dma_start3A_55, %dma_start3A_56] : memref<8x8x1024xf32, #tpu.memory_space<vmem>> -> memref<1x8x1024xf32, #tpu.memory_space<vmem>>
    %dma_start3A_58 = tpu.memref_squeeze %dma_start3A_57 : memref<1x8x1024xf32, #tpu.memory_space<vmem>> -> memref<8x1024xf32, #tpu.memory_space<vmem>>
    %dma_start3A_59 = arith.constant 16 : i32
    %dma_start3A_60 = tpu.memref_slice %arg6[%dma_start3A_59] : memref<1024xi32, #tpu.memory_space<vmem>> -> memref<8xi32, #tpu.memory_space<vmem>>
    %dma_start3A_61 = arith.constant 0 : i32
    %dma_start3A_62 = arith.constant 0 : i32
    %dma_start3A_63 = tpu.memref_slice %arg3[%dma_start3A_61, %dma_start3A_62] : memref<100000x1024xf32, #tpu.memory_space<hbm>> -> memref<100000x1024xf32, #tpu.memory_space<hbm>>
    tpu.enqueue_indirect_dma source(%dma_start3A_63 : memref<100000x1024xf32, #tpu.memory_space<hbm>>) target(%dma_start3A_58 : memref<8x1024xf32, #tpu.memory_space<vmem>>) offsets(%dma_start3A_60 : memref<8xi32, #tpu.memory_space<vmem>>) semaphore(%arg12 : memref<!tpu.dma_semaphore, #tpu.memory_space<semaphore_mem>>)
    %dma_start3A_64 = arith.constant 3 : i32
    %dma_start3A_65 = arith.constant 0 : i32
    %dma_start3A_66 = arith.constant 0 : i32
    %dma_start3A_67 = tpu.memref_slice %arg7[%dma_start3A_64, %dma_start3A_65, %dma_start3A_66] : memref<8x8x1024xf32, #tpu.memory_space<vmem>> -> memref<1x8x1024xf32, #tpu.memory_space<vmem>>
    %dma_start3A_68 = tpu.memref_squeeze %dma_start3A_67 : memref<1x8x1024xf32, #tpu.memory_space<vmem>> -> memref<8x1024xf32, #tpu.memory_space<vmem>>
    %dma_start3A_69 = arith.constant 24 : i32
    %dma_start3A_70 = tpu.memref_slice %arg6[%dma_start3A_69] : memref<1024xi32, #tpu.memory_space<vmem>> -> memref<8xi32, #tpu.memory_space<vmem>>
    %dma_start3A_71 = arith.constant 0 : i32
    %dma_start3A_72 = arith.constant 0 : i32
    %dma_start3A_73 = tpu.memref_slice %arg3[%dma_start3A_71, %dma_start3A_72] : memref<100000x1024xf32, #tpu.memory_space<hbm>> -> memref<100000x1024xf32, #tpu.memory_space<hbm>>
    tpu.enqueue_indirect_dma source(%dma_start3A_73 : memref<100000x1024xf32, #tpu.memory_space<hbm>>) target(%dma_start3A_68 : memref<8x1024xf32, #tpu.memory_space<vmem>>) offsets(%dma_start3A_70 : memref<8xi32, #tpu.memory_space<vmem>>) semaphore(%arg13 : memref<!tpu.dma_semaphore, #tpu.memory_space<semaphore_mem>>)
    %dma_start3A_74 = arith.constant 4 : i32
    %dma_start3A_75 = arith.constant 0 : i32
    %dma_start3A_76 = arith.constant 0 : i32
    %dma_start3A_77 = tpu.memref_slice %arg7[%dma_start3A_74, %dma_start3A_75, %dma_start3A_76] : memref<8x8x1024xf32, #tpu.memory_space<vmem>> -> memref<1x8x1024xf32, #tpu.memory_space<vmem>>
    %dma_start3A_78 = tpu.memref_squeeze %dma_start3A_77 : memref<1x8x1024xf32, #tpu.memory_space<vmem>> -> memref<8x1024xf32, #tpu.memory_space<vmem>>
    %dma_start3A_79 = arith.constant 32 : i32
    %dma_start3A_80 = tpu.memref_slice %arg6[%dma_start3A_79] : memref<1024xi32, #tpu.memory_space<vmem>> -> memref<8xi32, #tpu.memory_space<vmem>>
    %dma_start3A_81 = arith.constant 0 : i32
    %dma_start3A_82 = arith.constant 0 : i32
    %dma_start3A_83 = tpu.memref_slice %arg3[%dma_start3A_81, %dma_start3A_82] : memref<100000x1024xf32, #tpu.memory_space<hbm>> -> memref<100000x1024xf32, #tpu.memory_space<hbm>>
    tpu.enqueue_indirect_dma source(%dma_start3A_83 : memref<100000x1024xf32, #tpu.memory_space<hbm>>) target(%dma_start3A_78 : memref<8x1024xf32, #tpu.memory_space<vmem>>) offsets(%dma_start3A_80 : memref<8xi32, #tpu.memory_space<vmem>>) semaphore(%arg14 : memref<!tpu.dma_semaphore, #tpu.memory_space<semaphore_mem>>)
    %dma_start3A_84 = arith.constant 5 : i32
    %dma_start3A_85 = arith.constant 0 : i32
    %dma_start3A_86 = arith.constant 0 : i32
    %dma_start3A_87 = tpu.memref_slice %arg7[%dma_start3A_84, %dma_start3A_85, %dma_start3A_86] : memref<8x8x1024xf32, #tpu.memory_space<vmem>> -> memref<1x8x1024xf32, #tpu.memory_space<vmem>>
    %dma_start3A_88 = tpu.memref_squeeze %dma_start3A_87 : memref<1x8x1024xf32, #tpu.memory_space<vmem>> -> memref<8x1024xf32, #tpu.memory_space<vmem>>
    %dma_start3A_89 = arith.constant 40 : i32
    %dma_start3A_90 = tpu.memref_slice %arg6[%dma_start3A_89] : memref<1024xi32, #tpu.memory_space<vmem>> -> memref<8xi32, #tpu.memory_space<vmem>>
    %dma_start3A_91 = arith.constant 0 : i32
    %dma_start3A_92 = arith.constant 0 : i32
    %dma_start3A_93 = tpu.memref_slice %arg3[%dma_start3A_91, %dma_start3A_92] : memref<100000x1024xf32, #tpu.memory_space<hbm>> -> memref<100000x1024xf32, #tpu.memory_space<hbm>>
    tpu.enqueue_indirect_dma source(%dma_start3A_93 : memref<100000x1024xf32, #tpu.memory_space<hbm>>) target(%dma_start3A_88 : memref<8x1024xf32, #tpu.memory_space<vmem>>) offsets(%dma_start3A_90 : memref<8xi32, #tpu.memory_space<vmem>>) semaphore(%arg15 : memref<!tpu.dma_semaphore, #tpu.memory_space<semaphore_mem>>)
    %dma_start3A_94 = arith.constant 6 : i32
    %dma_start3A_95 = arith.constant 0 : i32
    %dma_start3A_96 = arith.constant 0 : i32
    %dma_start3A_97 = tpu.memref_slice %arg7[%dma_start3A_94, %dma_start3A_95, %dma_start3A_96] : memref<8x8x1024xf32, #tpu.memory_space<vmem>> -> memref<1x8x1024xf32, #tpu.memory_space<vmem>>
    %dma_start3A_98 = tpu.memref_squeeze %dma_start3A_97 : memref<1x8x1024xf32, #tpu.memory_space<vmem>> -> memref<8x1024xf32, #tpu.memory_space<vmem>>
    %dma_start3A_99 = arith.constant 48 : i32
    %dma_start3A_100 = tpu.memref_slice %arg6[%dma_start3A_99] : memref<1024xi32, #tpu.memory_space<vmem>> -> memref<8xi32, #tpu.memory_space<vmem>>
    %dma_start3A_101 = arith.constant 0 : i32
    %dma_start3A_102 = arith.constant 0 : i32
    %dma_start3A_103 = tpu.memref_slice %arg3[%dma_start3A_101, %dma_start3A_102] : memref<100000x1024xf32, #tpu.memory_space<hbm>> -> memref<100000x1024xf32, #tpu.memory_space<hbm>>
    tpu.enqueue_indirect_dma source(%dma_start3A_103 : memref<100000x1024xf32, #tpu.memory_space<hbm>>) target(%dma_start3A_98 : memref<8x1024xf32, #tpu.memory_space<vmem>>) offsets(%dma_start3A_100 : memref<8xi32, #tpu.memory_space<vmem>>) semaphore(%arg16 : memref<!tpu.dma_semaphore, #tpu.memory_space<semaphore_mem>>)
    %dma_start3A_104 = arith.constant 7 : i32
    %dma_start3A_105 = arith.constant 0 : i32
    %dma_start3A_106 = arith.constant 0 : i32
    %dma_start3A_107 = tpu.memref_slice %arg7[%dma_start3A_104, %dma_start3A_105, %dma_start3A_106] : memref<8x8x1024xf32, #tpu.memory_space<vmem>> -> memref<1x8x1024xf32, #tpu.memory_space<vmem>>
    %dma_start3A_108 = tpu.memref_squeeze %dma_start3A_107 : memref<1x8x1024xf32, #tpu.memory_space<vmem>> -> memref<8x1024xf32, #tpu.memory_space<vmem>>
    %dma_start3A_109 = arith.constant 56 : i32
    %dma_start3A_110 = tpu.memref_slice %arg6[%dma_start3A_109] : memref<1024xi32, #tpu.memory_space<vmem>> -> memref<8xi32, #tpu.memory_space<vmem>>
    %dma_start3A_111 = arith.constant 0 : i32
    %dma_start3A_112 = arith.constant 0 : i32
    %dma_start3A_113 = tpu.memref_slice %arg3[%dma_start3A_111, %dma_start3A_112] : memref<100000x1024xf32, #tpu.memory_space<hbm>> -> memref<100000x1024xf32, #tpu.memory_space<hbm>>
    tpu.enqueue_indirect_dma source(%dma_start3A_113 : memref<100000x1024xf32, #tpu.memory_space<hbm>>) target(%dma_start3A_108 : memref<8x1024xf32, #tpu.memory_space<vmem>>) offsets(%dma_start3A_110 : memref<8xi32, #tpu.memory_space<vmem>>) semaphore(%arg17 : memref<!tpu.dma_semaphore, #tpu.memory_space<semaphore_mem>>)
    %scan3A = arith.constant 0 : i32
    %scan3A_114 = arith.constant 0 : i32
    %scan3A_115 = arith.constant 0 : i32
    %scan3A_116 = arith.constant 64 : i32
    %scan3A_117 = arith.addi %scan3A_115, %scan3A_116 : i32
    %scan3A_118 = arith.constant 1 : i32
    %scan3A_119:2 = scf.for %scan3A_471 = %scan3A_115 to %scan3A_117 step %scan3A_118 iter_args(%scan3A_472 = %scan3A, %scan3A_473 = %scan3A_114) -> (i32, i32)  : i32 {
      %mul3A_474 = arith.constant 16 : i32
      %mul3A_475 = arith.muli %scan3A_471, %mul3A_474 : i32
      %get3A = arith.index_cast %mul3A_475 : i32 to index
      %get3A_476 = tpu.vector_load %arg6[%get3A] {strides = array<i32>} : memref<1024xi32, #tpu.memory_space<vmem>>, vector<16xi32>,
      %ge3A = arith.constant 99488 : i32
      %ge3A_477 = vector.broadcast %ge3A : i32 to vector<16xi32>
      %ge3A_478 = arith.cmpi sge, %get3A_476, %ge3A_477 : vector<16xi32>
      %jit3A_479 = arith.constant 1 : i32
      %jit3A_480 = arith.constant 0 : i32
      %broadcast_in_dim3A_481 = vector.broadcast %jit3A_479 : i32 to vector<16xi32>
      %broadcast_in_dim3A_482 = vector.broadcast %jit3A_480 : i32 to vector<16xi32>
      %select_n3A_483 = arith.select %ge3A_478, %broadcast_in_dim3A_481, %broadcast_in_dim3A_482 : vector<16xi1>, vector<16xi32>
      %broadcast_in_dim3A_484 = arith.constant true
      %broadcast_in_dim3A_485 = vector.broadcast %broadcast_in_dim3A_484 : i1 to vector<16xi1>
      %masked_cumsum3A = tpu.scan <sum>, %select_n3A_483 masked %broadcast_in_dim3A_485 : vector<16xi32>, vector<16xi1> -> vector<16xi32>
      %add3A_486 = vector.broadcast %scan3A_472 : i32 to vector<16xi32>
      %add3A_487 = arith.addi %add3A_486, %masked_cumsum3A : vector<16xi32>
      %sub3A_488 = arith.constant 1 : i32
      %sub3A_489 = vector.broadcast %sub3A_488 : i32 to vector<16xi32>
      %sub3A_490 = arith.subi %add3A_487, %sub3A_489 : vector<16xi32>
      %max3A = arith.constant 0 : i32
      %max3A_491 = vector.broadcast %max3A : i32 to vector<16xi32>
      %max3A_492 = arith.maxsi %sub3A_490, %max3A_491 : vector<16xi32>
      %mul3A_493 = arith.constant 16 : i32
      %mul3A_494 = arith.muli %scan3A_471, %mul3A_493 : i32
      %add3A_495 = arith.addi %mul3A_2, %mul3A_494 : i32
      %iota3A = tpu.iota {dimensions = array<i32: 0>} : vector<16xi32>
      %add3A_496 = vector.broadcast %add3A_495 : i32 to vector<16xi32>
      %add3A_497 = arith.addi %add3A_496, %iota3A : vector<16xi32>
      %mul3A_498 = arith.constant 1024 : i32
      %mul3A_499 = vector.broadcast %mul3A_498 : i32 to vector<16xi32>
      %mul3A_500 = arith.muli %add3A_497, %mul3A_499 : vector<16xi32>
      %sub3A_501 = arith.constant 99488 : i32
      %sub3A_502 = vector.broadcast %sub3A_501 : i32 to vector<16xi32>
      %sub3A_503 = arith.subi %get3A_476, %sub3A_502 : vector<16xi32>
      %add3A_504 = arith.addi %mul3A_500, %sub3A_503 : vector<16xi32>
      tpu.vector_store_idx %arg9[%max3A_492], %add3A_504 masked %ge3A_478 : memref<1040xi32, #tpu.memory_space<vmem>>[vector<16xi32>], vector<16xi32>, vector<16xi1>
      %jit3A_505 = arith.constant -1 : i32
      %broadcast_in_dim3A_506 = vector.broadcast %jit3A_505 : i32 to vector<16xi32>
      %select_n3A_507 = arith.select %ge3A_478, %add3A_504, %broadcast_in_dim3A_506 : vector<16xi1>, vector<16xi32>
      %reduce_max3A = arith.constant true
      %reduce_max3A_508 = vector.broadcast %reduce_max3A : i1 to vector<16xi1>
      %reduce_max3A_509 = arith.constant -2147483648 : i32
      %reduce_max3A_510 = vector.broadcast %reduce_max3A_509 : i32 to vector<16xi32>
      %reduce_max3A_511 = arith.xori %select_n3A_507, %reduce_max3A_510 : vector<16xi32>
      %reduce_max3A_512 = tpu.scan <max>, %reduce_max3A_511 masked %reduce_max3A_508 : vector<16xi32>, vector<16xi1> -> vector<16xi32>
      %reduce_max3A_513 = arith.xori %reduce_max3A_512, %reduce_max3A_510 : vector<16xi32>
      %reduce_max3A_514 = vector.extract %reduce_max3A_513[15] : i32 from vector<16xi32>
      %reduce_sum3A = arith.constant true
      %reduce_sum3A_515 = vector.broadcast %reduce_sum3A : i1 to vector<16xi1>
      %reduce_sum3A_516 = tpu.scan <sum>, %select_n3A_483 masked %reduce_sum3A_515 : vector<16xi32>, vector<16xi1> -> vector<16xi32>
      %reduce_sum3A_517 = vector.extract %reduce_sum3A_516[15] : i32 from vector<16xi32>
      %add3A_518 = arith.addi %scan3A_472, %reduce_sum3A_517 : i32
      %max3A_519 = arith.maxsi %scan3A_473, %reduce_max3A_514 : i32
      scf.yield %add3A_518, %max3A_519 : i32, i32
    }
    %scan3A_120 = arith.constant 64 : i32
    %broadcast_in_dim3A = arith.constant 0 : i32
    %broadcast_in_dim3A_121 = vector.broadcast %broadcast_in_dim3A : i32 to vector<16xi32>
    %add3A_122 = vector.broadcast %scan3A_119#1 : i32 to vector<16xi32>
    %add3A_123 = arith.addi %broadcast_in_dim3A_121, %add3A_122 : vector<16xi32>
    %swap3A = arith.index_cast %scan3A_119#0 : i32 to index
    %swap3A_124 = tpu.vector_load %arg9[%swap3A] {strides = array<i32>} : memref<1040xi32, #tpu.memory_space<vmem>>, vector<16xi32>,
    tpu.vector_store %arg9[%swap3A], %add3A_123 {strides = array<i32>} : memref<1040xi32, #tpu.memory_space<vmem>>, vector<16xi32>,
    %dma_wait3A = arith.constant 0 : i32
    %dma_wait3A_125 = arith.constant 0 : i32
    %dma_wait3A_126 = arith.constant 0 : i32
    %dma_wait3A_127 = tpu.memref_slice %arg7[%dma_wait3A, %dma_wait3A_125, %dma_wait3A_126] : memref<8x8x1024xf32, #tpu.memory_space<vmem>> -> memref<1x8x1024xf32, #tpu.memory_space<vmem>>
    %dma_wait3A_128 = tpu.memref_squeeze %dma_wait3A_127 : memref<1x8x1024xf32, #tpu.memory_space<vmem>> -> memref<8x1024xf32, #tpu.memory_space<vmem>>
    %dma_wait3A_129 = arith.constant 0 : i32
    %dma_wait3A_130 = tpu.memref_slice %arg6[%dma_wait3A_129] : memref<1024xi32, #tpu.memory_space<vmem>> -> memref<8xi32, #tpu.memory_space<vmem>>
    %dma_wait3A_131 = arith.constant 0 : i32
    %dma_wait3A_132 = arith.constant 0 : i32
    %dma_wait3A_133 = tpu.memref_slice %arg3[%dma_wait3A_131, %dma_wait3A_132] : memref<100000x1024xf32, #tpu.memory_space<hbm>> -> memref<100000x1024xf32, #tpu.memory_space<hbm>>
    tpu.wait_indirect_dma semaphore(%arg10 : memref<!tpu.dma_semaphore, #tpu.memory_space<semaphore_mem>>) src(%dma_wait3A_133 : memref<100000x1024xf32, #tpu.memory_space<hbm>>) dst(%dma_wait3A_128 : memref<8x1024xf32, #tpu.memory_space<vmem>>)
    %add3A_134 = arith.constant 0 : i32
    %add3A_135 = arith.addi %mul3A_2, %add3A_134 : i32
    %dma_start3A_136 = arith.constant 0 : i32
    %dma_start3A_137 = arith.constant 0 : i32
    %dma_start3A_138 = arith.constant 0 : i32
    %dma_start3A_139 = tpu.memref_slice %arg7[%dma_start3A_136, %dma_start3A_137, %dma_start3A_138] : memref<8x8x1024xf32, #tpu.memory_space<vmem>> -> memref<1x8x1024xf32, #tpu.memory_space<vmem>>
    %dma_start3A_140 = tpu.memref_squeeze %dma_start3A_139 : memref<1x8x1024xf32, #tpu.memory_space<vmem>> -> memref<8x1024xf32, #tpu.memory_space<vmem>>
    %dma_start3A_141 = arith.constant 0 : i32
    %dma_start3A_142 = tpu.memref_slice %arg5[%add3A_135, %dma_start3A_141] : memref<32768x1024xf32, #tpu.memory_space<hbm>> -> memref<8x1024xf32, #tpu.memory_space<hbm>>
    %dma_start3A_143 = arith.constant 0 : i32
    %dma_start3A_144 = tpu.memref_slice %arg5[%add3A_135, %dma_start3A_143] : memref<32768x1024xf32, #tpu.memory_space<hbm>> -> memref<8x1024xf32, #tpu.memory_space<hbm>>
    %dma_start3A_145 = arith.constant 0 : i32
    %dma_start3A_146 = arith.constant 0 : i32
    %dma_start3A_147 = tpu.memref_slice %arg7[%dma_start3A_136, %dma_start3A_145, %dma_start3A_146] : memref<8x8x1024xf32, #tpu.memory_space<vmem>> -> memref<1x8x1024xf32, #tpu.memory_space<vmem>>
    %dma_start3A_148 = tpu.memref_squeeze %dma_start3A_147 : memref<1x8x1024xf32, #tpu.memory_space<vmem>> -> memref<8x1024xf32, #tpu.memory_space<vmem>>
    tpu.enqueue_dma source(%dma_start3A_148 : memref<8x1024xf32, #tpu.memory_space<vmem>>) target(%dma_start3A_144 : memref<8x1024xf32, #tpu.memory_space<hbm>>) target_semaphore(%arg18 : memref<!tpu.dma_semaphore, #tpu.memory_space<semaphore_mem>>)
    %dma_wait3A_149 = arith.constant 1 : i32
    %dma_wait3A_150 = arith.constant 0 : i32
    %dma_wait3A_151 = arith.constant 0 : i32
    %dma_wait3A_152 = tpu.memref_slice %arg7[%dma_wait3A_149, %dma_wait3A_150, %dma_wait3A_151] : memref<8x8x1024xf32, #tpu.memory_space<vmem>> -> memref<1x8x1024xf32, #tpu.memory_space<vmem>>
    %dma_wait3A_153 = tpu.memref_squeeze %dma_wait3A_152 : memref<1x8x1024xf32, #tpu.memory_space<vmem>> -> memref<8x1024xf32, #tpu.memory_space<vmem>>
    %dma_wait3A_154 = arith.constant 8 : i32
    %dma_wait3A_155 = tpu.memref_slice %arg6[%dma_wait3A_154] : memref<1024xi32, #tpu.memory_space<vmem>> -> memref<8xi32, #tpu.memory_space<vmem>>
    %dma_wait3A_156 = arith.constant 0 : i32
    %dma_wait3A_157 = arith.constant 0 : i32
    %dma_wait3A_158 = tpu.memref_slice %arg3[%dma_wait3A_156, %dma_wait3A_157] : memref<100000x1024xf32, #tpu.memory_space<hbm>> -> memref<100000x1024xf32, #tpu.memory_space<hbm>>
    tpu.wait_indirect_dma semaphore(%arg11 : memref<!tpu.dma_semaphore, #tpu.memory_space<semaphore_mem>>) src(%dma_wait3A_158 : memref<100000x1024xf32, #tpu.memory_space<hbm>>) dst(%dma_wait3A_153 : memref<8x1024xf32, #tpu.memory_space<vmem>>)
    %add3A_159 = arith.constant 8 : i32
    %add3A_160 = arith.addi %mul3A_2, %add3A_159 : i32
    %dma_start3A_161 = arith.constant 1 : i32
    %dma_start3A_162 = arith.constant 0 : i32
    %dma_start3A_163 = arith.constant 0 : i32
    %dma_start3A_164 = tpu.memref_slice %arg7[%dma_start3A_161, %dma_start3A_162, %dma_start3A_163] : memref<8x8x1024xf32, #tpu.memory_space<vmem>> -> memref<1x8x1024xf32, #tpu.memory_space<vmem>>
    %dma_start3A_165 = tpu.memref_squeeze %dma_start3A_164 : memref<1x8x1024xf32, #tpu.memory_space<vmem>> -> memref<8x1024xf32, #tpu.memory_space<vmem>>
    %dma_start3A_166 = arith.constant 0 : i32
    %dma_start3A_167 = tpu.memref_slice %arg5[%add3A_160, %dma_start3A_166] : memref<32768x1024xf32, #tpu.memory_space<hbm>> -> memref<8x1024xf32, #tpu.memory_space<hbm>>
    %dma_start3A_168 = arith.constant 0 : i32
    %dma_start3A_169 = tpu.memref_slice %arg5[%add3A_160, %dma_start3A_168] : memref<32768x1024xf32, #tpu.memory_space<hbm>> -> memref<8x1024xf32, #tpu.memory_space<hbm>>
    %dma_start3A_170 = arith.constant 0 : i32
    %dma_start3A_171 = arith.constant 0 : i32
    %dma_start3A_172 = tpu.memref_slice %arg7[%dma_start3A_161, %dma_start3A_170, %dma_start3A_171] : memref<8x8x1024xf32, #tpu.memory_space<vmem>> -> memref<1x8x1024xf32, #tpu.memory_space<vmem>>
    %dma_start3A_173 = tpu.memref_squeeze %dma_start3A_172 : memref<1x8x1024xf32, #tpu.memory_space<vmem>> -> memref<8x1024xf32, #tpu.memory_space<vmem>>
    tpu.enqueue_dma source(%dma_start3A_173 : memref<8x1024xf32, #tpu.memory_space<vmem>>) target(%dma_start3A_169 : memref<8x1024xf32, #tpu.memory_space<hbm>>) target_semaphore(%arg19 : memref<!tpu.dma_semaphore, #tpu.memory_space<semaphore_mem>>)
    %dma_wait3A_174 = arith.constant 2 : i32
    %dma_wait3A_175 = arith.constant 0 : i32
    %dma_wait3A_176 = arith.constant 0 : i32
    %dma_wait3A_177 = tpu.memref_slice %arg7[%dma_wait3A_174, %dma_wait3A_175, %dma_wait3A_176] : memref<8x8x1024xf32, #tpu.memory_space<vmem>> -> memref<1x8x1024xf32, #tpu.memory_space<vmem>>
    %dma_wait3A_178 = tpu.memref_squeeze %dma_wait3A_177 : memref<1x8x1024xf32, #tpu.memory_space<vmem>> -> memref<8x1024xf32, #tpu.memory_space<vmem>>
    %dma_wait3A_179 = arith.constant 16 : i32
    %dma_wait3A_180 = tpu.memref_slice %arg6[%dma_wait3A_179] : memref<1024xi32, #tpu.memory_space<vmem>> -> memref<8xi32, #tpu.memory_space<vmem>>
    %dma_wait3A_181 = arith.constant 0 : i32
    %dma_wait3A_182 = arith.constant 0 : i32
    %dma_wait3A_183 = tpu.memref_slice %arg3[%dma_wait3A_181, %dma_wait3A_182] : memref<100000x1024xf32, #tpu.memory_space<hbm>> -> memref<100000x1024xf32, #tpu.memory_space<hbm>>
    tpu.wait_indirect_dma semaphore(%arg12 : memref<!tpu.dma_semaphore, #tpu.memory_space<semaphore_mem>>) src(%dma_wait3A_183 : memref<100000x1024xf32, #tpu.memory_space<hbm>>) dst(%dma_wait3A_178 : memref<8x1024xf32, #tpu.memory_space<vmem>>)
    %add3A_184 = arith.constant 16 : i32
    %add3A_185 = arith.addi %mul3A_2, %add3A_184 : i32
    %dma_start3A_186 = arith.constant 2 : i32
    %dma_start3A_187 = arith.constant 0 : i32
    %dma_start3A_188 = arith.constant 0 : i32
    %dma_start3A_189 = tpu.memref_slice %arg7[%dma_start3A_186, %dma_start3A_187, %dma_start3A_188] : memref<8x8x1024xf32, #tpu.memory_space<vmem>> -> memref<1x8x1024xf32, #tpu.memory_space<vmem>>
    %dma_start3A_190 = tpu.memref_squeeze %dma_start3A_189 : memref<1x8x1024xf32, #tpu.memory_space<vmem>> -> memref<8x1024xf32, #tpu.memory_space<vmem>>
    %dma_start3A_191 = arith.constant 0 : i32
    %dma_start3A_192 = tpu.memref_slice %arg5[%add3A_185, %dma_start3A_191] : memref<32768x1024xf32, #tpu.memory_space<hbm>> -> memref<8x1024xf32, #tpu.memory_space<hbm>>
    %dma_start3A_193 = arith.constant 0 : i32
    %dma_start3A_194 = tpu.memref_slice %arg5[%add3A_185, %dma_start3A_193] : memref<32768x1024xf32, #tpu.memory_space<hbm>> -> memref<8x1024xf32, #tpu.memory_space<hbm>>
    %dma_start3A_195 = arith.constant 0 : i32
    %dma_start3A_196 = arith.constant 0 : i32
    %dma_start3A_197 = tpu.memref_slice %arg7[%dma_start3A_186, %dma_start3A_195, %dma_start3A_196] : memref<8x8x1024xf32, #tpu.memory_space<vmem>> -> memref<1x8x1024xf32, #tpu.memory_space<vmem>>
    %dma_start3A_198 = tpu.memref_squeeze %dma_start3A_197 : memref<1x8x1024xf32, #tpu.memory_space<vmem>> -> memref<8x1024xf32, #tpu.memory_space<vmem>>
    tpu.enqueue_dma source(%dma_start3A_198 : memref<8x1024xf32, #tpu.memory_space<vmem>>) target(%dma_start3A_194 : memref<8x1024xf32, #tpu.memory_space<hbm>>) target_semaphore(%arg20 : memref<!tpu.dma_semaphore, #tpu.memory_space<semaphore_mem>>)
    %dma_wait3A_199 = arith.constant 3 : i32
    %dma_wait3A_200 = arith.constant 0 : i32
    %dma_wait3A_201 = arith.constant 0 : i32
    %dma_wait3A_202 = tpu.memref_slice %arg7[%dma_wait3A_199, %dma_wait3A_200, %dma_wait3A_201] : memref<8x8x1024xf32, #tpu.memory_space<vmem>> -> memref<1x8x1024xf32, #tpu.memory_space<vmem>>
    %dma_wait3A_203 = tpu.memref_squeeze %dma_wait3A_202 : memref<1x8x1024xf32, #tpu.memory_space<vmem>> -> memref<8x1024xf32, #tpu.memory_space<vmem>>
    %dma_wait3A_204 = arith.constant 24 : i32
    %dma_wait3A_205 = tpu.memref_slice %arg6[%dma_wait3A_204] : memref<1024xi32, #tpu.memory_space<vmem>> -> memref<8xi32, #tpu.memory_space<vmem>>
    %dma_wait3A_206 = arith.constant 0 : i32
    %dma_wait3A_207 = arith.constant 0 : i32
    %dma_wait3A_208 = tpu.memref_slice %arg3[%dma_wait3A_206, %dma_wait3A_207] : memref<100000x1024xf32, #tpu.memory_space<hbm>> -> memref<100000x1024xf32, #tpu.memory_space<hbm>>
    tpu.wait_indirect_dma semaphore(%arg13 : memref<!tpu.dma_semaphore, #tpu.memory_space<semaphore_mem>>) src(%dma_wait3A_208 : memref<100000x1024xf32, #tpu.memory_space<hbm>>) dst(%dma_wait3A_203 : memref<8x1024xf32, #tpu.memory_space<vmem>>)
    %add3A_209 = arith.constant 24 : i32
    %add3A_210 = arith.addi %mul3A_2, %add3A_209 : i32
    %dma_start3A_211 = arith.constant 3 : i32
    %dma_start3A_212 = arith.constant 0 : i32
    %dma_start3A_213 = arith.constant 0 : i32
    %dma_start3A_214 = tpu.memref_slice %arg7[%dma_start3A_211, %dma_start3A_212, %dma_start3A_213] : memref<8x8x1024xf32, #tpu.memory_space<vmem>> -> memref<1x8x1024xf32, #tpu.memory_space<vmem>>
    %dma_start3A_215 = tpu.memref_squeeze %dma_start3A_214 : memref<1x8x1024xf32, #tpu.memory_space<vmem>> -> memref<8x1024xf32, #tpu.memory_space<vmem>>
    %dma_start3A_216 = arith.constant 0 : i32
    %dma_start3A_217 = tpu.memref_slice %arg5[%add3A_210, %dma_start3A_216] : memref<32768x1024xf32, #tpu.memory_space<hbm>> -> memref<8x1024xf32, #tpu.memory_space<hbm>>
    %dma_start3A_218 = arith.constant 0 : i32
    %dma_start3A_219 = tpu.memref_slice %arg5[%add3A_210, %dma_start3A_218] : memref<32768x1024xf32, #tpu.memory_space<hbm>> -> memref<8x1024xf32, #tpu.memory_space<hbm>>
    %dma_start3A_220 = arith.constant 0 : i32
    %dma_start3A_221 = arith.constant 0 : i32
    %dma_start3A_222 = tpu.memref_slice %arg7[%dma_start3A_211, %dma_start3A_220, %dma_start3A_221] : memref<8x8x1024xf32, #tpu.memory_space<vmem>> -> memref<1x8x1024xf32, #tpu.memory_space<vmem>>
    %dma_start3A_223 = tpu.memref_squeeze %dma_start3A_222 : memref<1x8x1024xf32, #tpu.memory_space<vmem>> -> memref<8x1024xf32, #tpu.memory_space<vmem>>
    tpu.enqueue_dma source(%dma_start3A_223 : memref<8x1024xf32, #tpu.memory_space<vmem>>) target(%dma_start3A_219 : memref<8x1024xf32, #tpu.memory_space<hbm>>) target_semaphore(%arg21 : memref<!tpu.dma_semaphore, #tpu.memory_space<semaphore_mem>>)
    %dma_wait3A_224 = arith.constant 4 : i32
    %dma_wait3A_225 = arith.constant 0 : i32
    %dma_wait3A_226 = arith.constant 0 : i32
    %dma_wait3A_227 = tpu.memref_slice %arg7[%dma_wait3A_224, %dma_wait3A_225, %dma_wait3A_226] : memref<8x8x1024xf32, #tpu.memory_space<vmem>> -> memref<1x8x1024xf32, #tpu.memory_space<vmem>>
    %dma_wait3A_228 = tpu.memref_squeeze %dma_wait3A_227 : memref<1x8x1024xf32, #tpu.memory_space<vmem>> -> memref<8x1024xf32, #tpu.memory_space<vmem>>
    %dma_wait3A_229 = arith.constant 32 : i32
    %dma_wait3A_230 = tpu.memref_slice %arg6[%dma_wait3A_229] : memref<1024xi32, #tpu.memory_space<vmem>> -> memref<8xi32, #tpu.memory_space<vmem>>
    %dma_wait3A_231 = arith.constant 0 : i32
    %dma_wait3A_232 = arith.constant 0 : i32
    %dma_wait3A_233 = tpu.memref_slice %arg3[%dma_wait3A_231, %dma_wait3A_232] : memref<100000x1024xf32, #tpu.memory_space<hbm>> -> memref<100000x1024xf32, #tpu.memory_space<hbm>>
    tpu.wait_indirect_dma semaphore(%arg14 : memref<!tpu.dma_semaphore, #tpu.memory_space<semaphore_mem>>) src(%dma_wait3A_233 : memref<100000x1024xf32, #tpu.memory_space<hbm>>) dst(%dma_wait3A_228 : memref<8x1024xf32, #tpu.memory_space<vmem>>)
    %add3A_234 = arith.constant 32 : i32
    %add3A_235 = arith.addi %mul3A_2, %add3A_234 : i32
    %dma_start3A_236 = arith.constant 4 : i32
    %dma_start3A_237 = arith.constant 0 : i32
    %dma_start3A_238 = arith.constant 0 : i32
    %dma_start3A_239 = tpu.memref_slice %arg7[%dma_start3A_236, %dma_start3A_237, %dma_start3A_238] : memref<8x8x1024xf32, #tpu.memory_space<vmem>> -> memref<1x8x1024xf32, #tpu.memory_space<vmem>>
    %dma_start3A_240 = tpu.memref_squeeze %dma_start3A_239 : memref<1x8x1024xf32, #tpu.memory_space<vmem>> -> memref<8x1024xf32, #tpu.memory_space<vmem>>
    %dma_start3A_241 = arith.constant 0 : i32
    %dma_start3A_242 = tpu.memref_slice %arg5[%add3A_235, %dma_start3A_241] : memref<32768x1024xf32, #tpu.memory_space<hbm>> -> memref<8x1024xf32, #tpu.memory_space<hbm>>
    %dma_start3A_243 = arith.constant 0 : i32
    %dma_start3A_244 = tpu.memref_slice %arg5[%add3A_235, %dma_start3A_243] : memref<32768x1024xf32, #tpu.memory_space<hbm>> -> memref<8x1024xf32, #tpu.memory_space<hbm>>
    %dma_start3A_245 = arith.constant 0 : i32
    %dma_start3A_246 = arith.constant 0 : i32
    %dma_start3A_247 = tpu.memref_slice %arg7[%dma_start3A_236, %dma_start3A_245, %dma_start3A_246] : memref<8x8x1024xf32, #tpu.memory_space<vmem>> -> memref<1x8x1024xf32, #tpu.memory_space<vmem>>
    %dma_start3A_248 = tpu.memref_squeeze %dma_start3A_247 : memref<1x8x1024xf32, #tpu.memory_space<vmem>> -> memref<8x1024xf32, #tpu.memory_space<vmem>>
    tpu.enqueue_dma source(%dma_start3A_248 : memref<8x1024xf32, #tpu.memory_space<vmem>>) target(%dma_start3A_244 : memref<8x1024xf32, #tpu.memory_space<hbm>>) target_semaphore(%arg22 : memref<!tpu.dma_semaphore, #tpu.memory_space<semaphore_mem>>)
    %dma_wait3A_249 = arith.constant 5 : i32
    %dma_wait3A_250 = arith.constant 0 : i32
    %dma_wait3A_251 = arith.constant 0 : i32
    %dma_wait3A_252 = tpu.memref_slice %arg7[%dma_wait3A_249, %dma_wait3A_250, %dma_wait3A_251] : memref<8x8x1024xf32, #tpu.memory_space<vmem>> -> memref<1x8x1024xf32, #tpu.memory_space<vmem>>
    %dma_wait3A_253 = tpu.memref_squeeze %dma_wait3A_252 : memref<1x8x1024xf32, #tpu.memory_space<vmem>> -> memref<8x1024xf32, #tpu.memory_space<vmem>>
    %dma_wait3A_254 = arith.constant 40 : i32
    %dma_wait3A_255 = tpu.memref_slice %arg6[%dma_wait3A_254] : memref<1024xi32, #tpu.memory_space<vmem>> -> memref<8xi32, #tpu.memory_space<vmem>>
    %dma_wait3A_256 = arith.constant 0 : i32
    %dma_wait3A_257 = arith.constant 0 : i32
    %dma_wait3A_258 = tpu.memref_slice %arg3[%dma_wait3A_256, %dma_wait3A_257] : memref<100000x1024xf32, #tpu.memory_space<hbm>> -> memref<100000x1024xf32, #tpu.memory_space<hbm>>
    tpu.wait_indirect_dma semaphore(%arg15 : memref<!tpu.dma_semaphore, #tpu.memory_space<semaphore_mem>>) src(%dma_wait3A_258 : memref<100000x1024xf32, #tpu.memory_space<hbm>>) dst(%dma_wait3A_253 : memref<8x1024xf32, #tpu.memory_space<vmem>>)
    %add3A_259 = arith.constant 40 : i32
    %add3A_260 = arith.addi %mul3A_2, %add3A_259 : i32
    %dma_start3A_261 = arith.constant 5 : i32
    %dma_start3A_262 = arith.constant 0 : i32
    %dma_start3A_263 = arith.constant 0 : i32
    %dma_start3A_264 = tpu.memref_slice %arg7[%dma_start3A_261, %dma_start3A_262, %dma_start3A_263] : memref<8x8x1024xf32, #tpu.memory_space<vmem>> -> memref<1x8x1024xf32, #tpu.memory_space<vmem>>
    %dma_start3A_265 = tpu.memref_squeeze %dma_start3A_264 : memref<1x8x1024xf32, #tpu.memory_space<vmem>> -> memref<8x1024xf32, #tpu.memory_space<vmem>>
    %dma_start3A_266 = arith.constant 0 : i32
    %dma_start3A_267 = tpu.memref_slice %arg5[%add3A_260, %dma_start3A_266] : memref<32768x1024xf32, #tpu.memory_space<hbm>> -> memref<8x1024xf32, #tpu.memory_space<hbm>>
    %dma_start3A_268 = arith.constant 0 : i32
    %dma_start3A_269 = tpu.memref_slice %arg5[%add3A_260, %dma_start3A_268] : memref<32768x1024xf32, #tpu.memory_space<hbm>> -> memref<8x1024xf32, #tpu.memory_space<hbm>>
    %dma_start3A_270 = arith.constant 0 : i32
    %dma_start3A_271 = arith.constant 0 : i32
    %dma_start3A_272 = tpu.memref_slice %arg7[%dma_start3A_261, %dma_start3A_270, %dma_start3A_271] : memref<8x8x1024xf32, #tpu.memory_space<vmem>> -> memref<1x8x1024xf32, #tpu.memory_space<vmem>>
    %dma_start3A_273 = tpu.memref_squeeze %dma_start3A_272 : memref<1x8x1024xf32, #tpu.memory_space<vmem>> -> memref<8x1024xf32, #tpu.memory_space<vmem>>
    tpu.enqueue_dma source(%dma_start3A_273 : memref<8x1024xf32, #tpu.memory_space<vmem>>) target(%dma_start3A_269 : memref<8x1024xf32, #tpu.memory_space<hbm>>) target_semaphore(%arg23 : memref<!tpu.dma_semaphore, #tpu.memory_space<semaphore_mem>>)
    %dma_wait3A_274 = arith.constant 6 : i32
    %dma_wait3A_275 = arith.constant 0 : i32
    %dma_wait3A_276 = arith.constant 0 : i32
    %dma_wait3A_277 = tpu.memref_slice %arg7[%dma_wait3A_274, %dma_wait3A_275, %dma_wait3A_276] : memref<8x8x1024xf32, #tpu.memory_space<vmem>> -> memref<1x8x1024xf32, #tpu.memory_space<vmem>>
    %dma_wait3A_278 = tpu.memref_squeeze %dma_wait3A_277 : memref<1x8x1024xf32, #tpu.memory_space<vmem>> -> memref<8x1024xf32, #tpu.memory_space<vmem>>
    %dma_wait3A_279 = arith.constant 48 : i32
    %dma_wait3A_280 = tpu.memref_slice %arg6[%dma_wait3A_279] : memref<1024xi32, #tpu.memory_space<vmem>> -> memref<8xi32, #tpu.memory_space<vmem>>
    %dma_wait3A_281 = arith.constant 0 : i32
    %dma_wait3A_282 = arith.constant 0 : i32
    %dma_wait3A_283 = tpu.memref_slice %arg3[%dma_wait3A_281, %dma_wait3A_282] : memref<100000x1024xf32, #tpu.memory_space<hbm>> -> memref<100000x1024xf32, #tpu.memory_space<hbm>>
    tpu.wait_indirect_dma semaphore(%arg16 : memref<!tpu.dma_semaphore, #tpu.memory_space<semaphore_mem>>) src(%dma_wait3A_283 : memref<100000x1024xf32, #tpu.memory_space<hbm>>) dst(%dma_wait3A_278 : memref<8x1024xf32, #tpu.memory_space<vmem>>)
    %add3A_284 = arith.constant 48 : i32
    %add3A_285 = arith.addi %mul3A_2, %add3A_284 : i32
    %dma_start3A_286 = arith.constant 6 : i32
    %dma_start3A_287 = arith.constant 0 : i32
    %dma_start3A_288 = arith.constant 0 : i32
    %dma_start3A_289 = tpu.memref_slice %arg7[%dma_start3A_286, %dma_start3A_287, %dma_start3A_288] : memref<8x8x1024xf32, #tpu.memory_space<vmem>> -> memref<1x8x1024xf32, #tpu.memory_space<vmem>>
    %dma_start3A_290 = tpu.memref_squeeze %dma_start3A_289 : memref<1x8x1024xf32, #tpu.memory_space<vmem>> -> memref<8x1024xf32, #tpu.memory_space<vmem>>
    %dma_start3A_291 = arith.constant 0 : i32
    %dma_start3A_292 = tpu.memref_slice %arg5[%add3A_285, %dma_start3A_291] : memref<32768x1024xf32, #tpu.memory_space<hbm>> -> memref<8x1024xf32, #tpu.memory_space<hbm>>
    %dma_start3A_293 = arith.constant 0 : i32
    %dma_start3A_294 = tpu.memref_slice %arg5[%add3A_285, %dma_start3A_293] : memref<32768x1024xf32, #tpu.memory_space<hbm>> -> memref<8x1024xf32, #tpu.memory_space<hbm>>
    %dma_start3A_295 = arith.constant 0 : i32
    %dma_start3A_296 = arith.constant 0 : i32
    %dma_start3A_297 = tpu.memref_slice %arg7[%dma_start3A_286, %dma_start3A_295, %dma_start3A_296] : memref<8x8x1024xf32, #tpu.memory_space<vmem>> -> memref<1x8x1024xf32, #tpu.memory_space<vmem>>
    %dma_start3A_298 = tpu.memref_squeeze %dma_start3A_297 : memref<1x8x1024xf32, #tpu.memory_space<vmem>> -> memref<8x1024xf32, #tpu.memory_space<vmem>>
    tpu.enqueue_dma source(%dma_start3A_298 : memref<8x1024xf32, #tpu.memory_space<vmem>>) target(%dma_start3A_294 : memref<8x1024xf32, #tpu.memory_space<hbm>>) target_semaphore(%arg24 : memref<!tpu.dma_semaphore, #tpu.memory_space<semaphore_mem>>)
    %dma_wait3A_299 = arith.constant 7 : i32
    %dma_wait3A_300 = arith.constant 0 : i32
    %dma_wait3A_301 = arith.constant 0 : i32
    %dma_wait3A_302 = tpu.memref_slice %arg7[%dma_wait3A_299, %dma_wait3A_300, %dma_wait3A_301] : memref<8x8x1024xf32, #tpu.memory_space<vmem>> -> memref<1x8x1024xf32, #tpu.memory_space<vmem>>
    %dma_wait3A_303 = tpu.memref_squeeze %dma_wait3A_302 : memref<1x8x1024xf32, #tpu.memory_space<vmem>> -> memref<8x1024xf32, #tpu.memory_space<vmem>>
    %dma_wait3A_304 = arith.constant 56 : i32
    %dma_wait3A_305 = tpu.memref_slice %arg6[%dma_wait3A_304] : memref<1024xi32, #tpu.memory_space<vmem>> -> memref<8xi32, #tpu.memory_space<vmem>>
    %dma_wait3A_306 = arith.constant 0 : i32
    %dma_wait3A_307 = arith.constant 0 : i32
    %dma_wait3A_308 = tpu.memref_slice %arg3[%dma_wait3A_306, %dma_wait3A_307] : memref<100000x1024xf32, #tpu.memory_space<hbm>> -> memref<100000x1024xf32, #tpu.memory_space<hbm>>
    tpu.wait_indirect_dma semaphore(%arg17 : memref<!tpu.dma_semaphore, #tpu.memory_space<semaphore_mem>>) src(%dma_wait3A_308 : memref<100000x1024xf32, #tpu.memory_space<hbm>>) dst(%dma_wait3A_303 : memref<8x1024xf32, #tpu.memory_space<vmem>>)
    %add3A_309 = arith.constant 56 : i32
    %add3A_310 = arith.addi %mul3A_2, %add3A_309 : i32
    %dma_start3A_311 = arith.constant 7 : i32
    %dma_start3A_312 = arith.constant 0 : i32
    %dma_start3A_313 = arith.constant 0 : i32
    %dma_start3A_314 = tpu.memref_slice %arg7[%dma_start3A_311, %dma_start3A_312, %dma_start3A_313] : memref<8x8x1024xf32, #tpu.memory_space<vmem>> -> memref<1x8x1024xf32, #tpu.memory_space<vmem>>
    %dma_start3A_315 = tpu.memref_squeeze %dma_start3A_314 : memref<1x8x1024xf32, #tpu.memory_space<vmem>> -> memref<8x1024xf32, #tpu.memory_space<vmem>>
    %dma_start3A_316 = arith.constant 0 : i32
    %dma_start3A_317 = tpu.memref_slice %arg5[%add3A_310, %dma_start3A_316] : memref<32768x1024xf32, #tpu.memory_space<hbm>> -> memref<8x1024xf32, #tpu.memory_space<hbm>>
    %dma_start3A_318 = arith.constant 0 : i32
    %dma_start3A_319 = tpu.memref_slice %arg5[%add3A_310, %dma_start3A_318] : memref<32768x1024xf32, #tpu.memory_space<hbm>> -> memref<8x1024xf32, #tpu.memory_space<hbm>>
    %dma_start3A_320 = arith.constant 0 : i32
    %dma_start3A_321 = arith.constant 0 : i32
    %dma_start3A_322 = tpu.memref_slice %arg7[%dma_start3A_311, %dma_start3A_320, %dma_start3A_321] : memref<8x8x1024xf32, #tpu.memory_space<vmem>> -> memref<1x8x1024xf32, #tpu.memory_space<vmem>>
    %dma_start3A_323 = tpu.memref_squeeze %dma_start3A_322 : memref<1x8x1024xf32, #tpu.memory_space<vmem>> -> memref<8x1024xf32, #tpu.memory_space<vmem>>
    tpu.enqueue_dma source(%dma_start3A_323 : memref<8x1024xf32, #tpu.memory_space<vmem>>) target(%dma_start3A_319 : memref<8x1024xf32, #tpu.memory_space<hbm>>) target_semaphore(%arg25 : memref<!tpu.dma_semaphore, #tpu.memory_space<semaphore_mem>>)
    %scan3A_324 = arith.constant 0 : i32
    %scan3A_325 = arith.constant 1 : i32
    %scan3A_326 = arith.constant 15 : i32
    %scan3A_327 = arith.addi %scan3A_325, %scan3A_326 : i32
    %scan3A_328 = arith.constant 1 : i32
    scf.for %scan3A_471 = %scan3A_325 to %scan3A_327 step %scan3A_328  : i32 {
      %mul3A_472 = arith.constant 8 : i32
      %mul3A_473 = arith.muli %scan3A_471, %mul3A_472 : i32
      %add3A_474 = arith.constant 0 : i32
      %add3A_475 = arith.addi %mul3A_473, %add3A_474 : i32
      %dma_wait3A_476 = arith.constant 0 : i32
      %dma_wait3A_477 = arith.constant 0 : i32
      %dma_wait3A_478 = arith.constant 0 : i32
      %dma_wait3A_479 = tpu.memref_slice %arg7[%dma_wait3A_476, %dma_wait3A_477, %dma_wait3A_478] : memref<8x8x1024xf32, #tpu.memory_space<vmem>> -> memref<1x8x1024xf32, #tpu.memory_space<vmem>>
      %dma_wait3A_480 = tpu.memref_squeeze %dma_wait3A_479 : memref<1x8x1024xf32, #tpu.memory_space<vmem>> -> memref<8x1024xf32, #tpu.memory_space<vmem>>
      %dma_wait3A_481 = arith.constant 0 : i32
      %dma_wait3A_482 = tpu.memref_slice %arg5[%mul3A_2, %dma_wait3A_481] : memref<32768x1024xf32, #tpu.memory_space<hbm>> -> memref<8x1024xf32, #tpu.memory_space<hbm>>
      %dma_wait3A_483 = arith.constant 0 : i32
      %dma_wait3A_484 = tpu.memref_slice %arg5[%mul3A_2, %dma_wait3A_483] : memref<32768x1024xf32, #tpu.memory_space<hbm>> -> memref<8x1024xf32, #tpu.memory_space<hbm>>
      %dma_wait3A_485 = arith.constant 0 : i32
      %dma_wait3A_486 = arith.constant 0 : i32
      %dma_wait3A_487 = tpu.memref_slice %arg7[%dma_wait3A_476, %dma_wait3A_485, %dma_wait3A_486] : memref<8x8x1024xf32, #tpu.memory_space<vmem>> -> memref<1x8x1024xf32, #tpu.memory_space<vmem>>
      %dma_wait3A_488 = tpu.memref_squeeze %dma_wait3A_487 : memref<1x8x1024xf32, #tpu.memory_space<vmem>> -> memref<8x1024xf32, #tpu.memory_space<vmem>>
      tpu.wait_dma2 semaphore(%arg18 : memref<!tpu.dma_semaphore, #tpu.memory_space<semaphore_mem>>) src(%dma_wait3A_488 : memref<8x1024xf32, #tpu.memory_space<vmem>>) dst(%dma_wait3A_484 : memref<8x1024xf32, #tpu.memory_space<hbm>>)
      %mul3A_489 = arith.constant 8 : i32
      %mul3A_490 = arith.muli %add3A_475, %mul3A_489 : i32
      %dma_start3A_491 = arith.constant 0 : i32
      %dma_start3A_492 = arith.constant 0 : i32
      %dma_start3A_493 = arith.constant 0 : i32
      %dma_start3A_494 = tpu.memref_slice %arg7[%dma_start3A_491, %dma_start3A_492, %dma_start3A_493] : memref<8x8x1024xf32, #tpu.memory_space<vmem>> -> memref<1x8x1024xf32, #tpu.memory_space<vmem>>
      %dma_start3A_495 = tpu.memref_squeeze %dma_start3A_494 : memref<1x8x1024xf32, #tpu.memory_space<vmem>> -> memref<8x1024xf32, #tpu.memory_space<vmem>>
      %dma_start3A_496 = tpu.memref_slice %arg6[%mul3A_490] : memref<1024xi32, #tpu.memory_space<vmem>> -> memref<8xi32, #tpu.memory_space<vmem>>
      %dma_start3A_497 = arith.constant 0 : i32
      %dma_start3A_498 = arith.constant 0 : i32
      %dma_start3A_499 = tpu.memref_slice %arg3[%dma_start3A_497, %dma_start3A_498] : memref<100000x1024xf32, #tpu.memory_space<hbm>> -> memref<100000x1024xf32, #tpu.memory_space<hbm>>
      tpu.enqueue_indirect_dma source(%dma_start3A_499 : memref<100000x1024xf32, #tpu.memory_space<hbm>>) target(%dma_start3A_495 : memref<8x1024xf32, #tpu.memory_space<vmem>>) offsets(%dma_start3A_496 : memref<8xi32, #tpu.memory_space<vmem>>) semaphore(%arg10 : memref<!tpu.dma_semaphore, #tpu.memory_space<semaphore_mem>>)
      %mul3A_500 = arith.constant 8 : i32
      %mul3A_501 = arith.muli %scan3A_471, %mul3A_500 : i32
      %add3A_502 = arith.constant 1 : i32
      %add3A_503 = arith.addi %mul3A_501, %add3A_502 : i32
      %dma_wait3A_504 = arith.constant 1 : i32
      %dma_wait3A_505 = arith.constant 0 : i32
      %dma_wait3A_506 = arith.constant 0 : i32
      %dma_wait3A_507 = tpu.memref_slice %arg7[%dma_wait3A_504, %dma_wait3A_505, %dma_wait3A_506] : memref<8x8x1024xf32, #tpu.memory_space<vmem>> -> memref<1x8x1024xf32, #tpu.memory_space<vmem>>
      %dma_wait3A_508 = tpu.memref_squeeze %dma_wait3A_507 : memref<1x8x1024xf32, #tpu.memory_space<vmem>> -> memref<8x1024xf32, #tpu.memory_space<vmem>>
      %dma_wait3A_509 = arith.constant 0 : i32
      %dma_wait3A_510 = tpu.memref_slice %arg5[%mul3A_2, %dma_wait3A_509] : memref<32768x1024xf32, #tpu.memory_space<hbm>> -> memref<8x1024xf32, #tpu.memory_space<hbm>>
      %dma_wait3A_511 = arith.constant 0 : i32
      %dma_wait3A_512 = tpu.memref_slice %arg5[%mul3A_2, %dma_wait3A_511] : memref<32768x1024xf32, #tpu.memory_space<hbm>> -> memref<8x1024xf32, #tpu.memory_space<hbm>>
      %dma_wait3A_513 = arith.constant 0 : i32
      %dma_wait3A_514 = arith.constant 0 : i32
      %dma_wait3A_515 = tpu.memref_slice %arg7[%dma_wait3A_504, %dma_wait3A_513, %dma_wait3A_514] : memref<8x8x1024xf32, #tpu.memory_space<vmem>> -> memref<1x8x1024xf32, #tpu.memory_space<vmem>>
      %dma_wait3A_516 = tpu.memref_squeeze %dma_wait3A_515 : memref<1x8x1024xf32, #tpu.memory_space<vmem>> -> memref<8x1024xf32, #tpu.memory_space<vmem>>
      tpu.wait_dma2 semaphore(%arg19 : memref<!tpu.dma_semaphore, #tpu.memory_space<semaphore_mem>>) src(%dma_wait3A_516 : memref<8x1024xf32, #tpu.memory_space<vmem>>) dst(%dma_wait3A_512 : memref<8x1024xf32, #tpu.memory_space<hbm>>)
      %mul3A_517 = arith.constant 8 : i32
      %mul3A_518 = arith.muli %add3A_503, %mul3A_517 : i32
      %dma_start3A_519 = arith.constant 1 : i32
      %dma_start3A_520 = arith.constant 0 : i32
      %dma_start3A_521 = arith.constant 0 : i32
      %dma_start3A_522 = tpu.memref_slice %arg7[%dma_start3A_519, %dma_start3A_520, %dma_start3A_521] : memref<8x8x1024xf32, #tpu.memory_space<vmem>> -> memref<1x8x1024xf32, #tpu.memory_space<vmem>>
      %dma_start3A_523 = tpu.memref_squeeze %dma_start3A_522 : memref<1x8x1024xf32, #tpu.memory_space<vmem>> -> memref<8x1024xf32, #tpu.memory_space<vmem>>
      %dma_start3A_524 = tpu.memref_slice %arg6[%mul3A_518] : memref<1024xi32, #tpu.memory_space<vmem>> -> memref<8xi32, #tpu.memory_space<vmem>>
      %dma_start3A_525 = arith.constant 0 : i32
      %dma_start3A_526 = arith.constant 0 : i32
      %dma_start3A_527 = tpu.memref_slice %arg3[%dma_start3A_525, %dma_start3A_526] : memref<100000x1024xf32, #tpu.memory_space<hbm>> -> memref<100000x1024xf32, #tpu.memory_space<hbm>>
      tpu.enqueue_indirect_dma source(%dma_start3A_527 : memref<100000x1024xf32, #tpu.memory_space<hbm>>) target(%dma_start3A_523 : memref<8x1024xf32, #tpu.memory_space<vmem>>) offsets(%dma_start3A_524 : memref<8xi32, #tpu.memory_space<vmem>>) semaphore(%arg11 : memref<!tpu.dma_semaphore, #tpu.memory_space<semaphore_mem>>)
      %mul3A_528 = arith.constant 8 : i32
      %mul3A_529 = arith.muli %scan3A_471, %mul3A_528 : i32
      %add3A_530 = arith.constant 2 : i32
      %add3A_531 = arith.addi %mul3A_529, %add3A_530 : i32
      %dma_wait3A_532 = arith.constant 2 : i32
      %dma_wait3A_533 = arith.constant 0 : i32
      %dma_wait3A_534 = arith.constant 0 : i32
      %dma_wait3A_535 = tpu.memref_slice %arg7[%dma_wait3A_532, %dma_wait3A_533, %dma_wait3A_534] : memref<8x8x1024xf32, #tpu.memory_space<vmem>> -> memref<1x8x1024xf32, #tpu.memory_space<vmem>>
      %dma_wait3A_536 = tpu.memref_squeeze %dma_wait3A_535 : memref<1x8x1024xf32, #tpu.memory_space<vmem>> -> memref<8x1024xf32, #tpu.memory_space<vmem>>
      %dma_wait3A_537 = arith.constant 0 : i32
      %dma_wait3A_538 = tpu.memref_slice %arg5[%mul3A_2, %dma_wait3A_537] : memref<32768x1024xf32, #tpu.memory_space<hbm>> -> memref<8x1024xf32, #tpu.memory_space<hbm>>
      %dma_wait3A_539 = arith.constant 0 : i32
      %dma_wait3A_540 = tpu.memref_slice %arg5[%mul3A_2, %dma_wait3A_539] : memref<32768x1024xf32, #tpu.memory_space<hbm>> -> memref<8x1024xf32, #tpu.memory_space<hbm>>
      %dma_wait3A_541 = arith.constant 0 : i32
      %dma_wait3A_542 = arith.constant 0 : i32
      %dma_wait3A_543 = tpu.memref_slice %arg7[%dma_wait3A_532, %dma_wait3A_541, %dma_wait3A_542] : memref<8x8x1024xf32, #tpu.memory_space<vmem>> -> memref<1x8x1024xf32, #tpu.memory_space<vmem>>
      %dma_wait3A_544 = tpu.memref_squeeze %dma_wait3A_543 : memref<1x8x1024xf32, #tpu.memory_space<vmem>> -> memref<8x1024xf32, #tpu.memory_space<vmem>>
      tpu.wait_dma2 semaphore(%arg20 : memref<!tpu.dma_semaphore, #tpu.memory_space<semaphore_mem>>) src(%dma_wait3A_544 : memref<8x1024xf32, #tpu.memory_space<vmem>>) dst(%dma_wait3A_540 : memref<8x1024xf32, #tpu.memory_space<hbm>>)
      %mul3A_545 = arith.constant 8 : i32
      %mul3A_546 = arith.muli %add3A_531, %mul3A_545 : i32
      %dma_start3A_547 = arith.constant 2 : i32
      %dma_start3A_548 = arith.constant 0 : i32
      %dma_start3A_549 = arith.constant 0 : i32
      %dma_start3A_550 = tpu.memref_slice %arg7[%dma_start3A_547, %dma_start3A_548, %dma_start3A_549] : memref<8x8x1024xf32, #tpu.memory_space<vmem>> -> memref<1x8x1024xf32, #tpu.memory_space<vmem>>
      %dma_start3A_551 = tpu.memref_squeeze %dma_start3A_550 : memref<1x8x1024xf32, #tpu.memory_space<vmem>> -> memref<8x1024xf32, #tpu.memory_space<vmem>>
      %dma_start3A_552 = tpu.memref_slice %arg6[%mul3A_546] : memref<1024xi32, #tpu.memory_space<vmem>> -> memref<8xi32, #tpu.memory_space<vmem>>
      %dma_start3A_553 = arith.constant 0 : i32
      %dma_start3A_554 = arith.constant 0 : i32
      %dma_start3A_555 = tpu.memref_slice %arg3[%dma_start3A_553, %dma_start3A_554] : memref<100000x1024xf32, #tpu.memory_space<hbm>> -> memref<100000x1024xf32, #tpu.memory_space<hbm>>
      tpu.enqueue_indirect_dma source(%dma_start3A_555 : memref<100000x1024xf32, #tpu.memory_space<hbm>>) target(%dma_start3A_551 : memref<8x1024xf32, #tpu.memory_space<vmem>>) offsets(%dma_start3A_552 : memref<8xi32, #tpu.memory_space<vmem>>) semaphore(%arg12 : memref<!tpu.dma_semaphore, #tpu.memory_space<semaphore_mem>>)
      %mul3A_556 = arith.constant 8 : i32
      %mul3A_557 = arith.muli %scan3A_471, %mul3A_556 : i32
      %add3A_558 = arith.constant 3 : i32
      %add3A_559 = arith.addi %mul3A_557, %add3A_558 : i32
      %dma_wait3A_560 = arith.constant 3 : i32
      %dma_wait3A_561 = arith.constant 0 : i32
      %dma_wait3A_562 = arith.constant 0 : i32
      %dma_wait3A_563 = tpu.memref_slice %arg7[%dma_wait3A_560, %dma_wait3A_561, %dma_wait3A_562] : memref<8x8x1024xf32, #tpu.memory_space<vmem>> -> memref<1x8x1024xf32, #tpu.memory_space<vmem>>
      %dma_wait3A_564 = tpu.memref_squeeze %dma_wait3A_563 : memref<1x8x1024xf32, #tpu.memory_space<vmem>> -> memref<8x1024xf32, #tpu.memory_space<vmem>>
      %dma_wait3A_565 = arith.constant 0 : i32
      %dma_wait3A_566 = tpu.memref_slice %arg5[%mul3A_2, %dma_wait3A_565] : memref<32768x1024xf32, #tpu.memory_space<hbm>> -> memref<8x1024xf32, #tpu.memory_space<hbm>>
      %dma_wait3A_567 = arith.constant 0 : i32
      %dma_wait3A_568 = tpu.memref_slice %arg5[%mul3A_2, %dma_wait3A_567] : memref<32768x1024xf32, #tpu.memory_space<hbm>> -> memref<8x1024xf32, #tpu.memory_space<hbm>>
      %dma_wait3A_569 = arith.constant 0 : i32
      %dma_wait3A_570 = arith.constant 0 : i32
      %dma_wait3A_571 = tpu.memref_slice %arg7[%dma_wait3A_560, %dma_wait3A_569, %dma_wait3A_570] : memref<8x8x1024xf32, #tpu.memory_space<vmem>> -> memref<1x8x1024xf32, #tpu.memory_space<vmem>>
      %dma_wait3A_572 = tpu.memref_squeeze %dma_wait3A_571 : memref<1x8x1024xf32, #tpu.memory_space<vmem>> -> memref<8x1024xf32, #tpu.memory_space<vmem>>
      tpu.wait_dma2 semaphore(%arg21 : memref<!tpu.dma_semaphore, #tpu.memory_space<semaphore_mem>>) src(%dma_wait3A_572 : memref<8x1024xf32, #tpu.memory_space<vmem>>) dst(%dma_wait3A_568 : memref<8x1024xf32, #tpu.memory_space<hbm>>)
      %mul3A_573 = arith.constant 8 : i32
      %mul3A_574 = arith.muli %add3A_559, %mul3A_573 : i32
      %dma_start3A_575 = arith.constant 3 : i32
      %dma_start3A_576 = arith.constant 0 : i32
      %dma_start3A_577 = arith.constant 0 : i32
      %dma_start3A_578 = tpu.memref_slice %arg7[%dma_start3A_575, %dma_start3A_576, %dma_start3A_577] : memref<8x8x1024xf32, #tpu.memory_space<vmem>> -> memref<1x8x1024xf32, #tpu.memory_space<vmem>>
      %dma_start3A_579 = tpu.memref_squeeze %dma_start3A_578 : memref<1x8x1024xf32, #tpu.memory_space<vmem>> -> memref<8x1024xf32, #tpu.memory_space<vmem>>
      %dma_start3A_580 = tpu.memref_slice %arg6[%mul3A_574] : memref<1024xi32, #tpu.memory_space<vmem>> -> memref<8xi32, #tpu.memory_space<vmem>>
      %dma_start3A_581 = arith.constant 0 : i32
      %dma_start3A_582 = arith.constant 0 : i32
      %dma_start3A_583 = tpu.memref_slice %arg3[%dma_start3A_581, %dma_start3A_582] : memref<100000x1024xf32, #tpu.memory_space<hbm>> -> memref<100000x1024xf32, #tpu.memory_space<hbm>>
      tpu.enqueue_indirect_dma source(%dma_start3A_583 : memref<100000x1024xf32, #tpu.memory_space<hbm>>) target(%dma_start3A_579 : memref<8x1024xf32, #tpu.memory_space<vmem>>) offsets(%dma_start3A_580 : memref<8xi32, #tpu.memory_space<vmem>>) semaphore(%arg13 : memref<!tpu.dma_semaphore, #tpu.memory_space<semaphore_mem>>)
      %mul3A_584 = arith.constant 8 : i32
      %mul3A_585 = arith.muli %scan3A_471, %mul3A_584 : i32
      %add3A_586 = arith.constant 4 : i32
      %add3A_587 = arith.addi %mul3A_585, %add3A_586 : i32
      %dma_wait3A_588 = arith.constant 4 : i32
      %dma_wait3A_589 = arith.constant 0 : i32
      %dma_wait3A_590 = arith.constant 0 : i32
      %dma_wait3A_591 = tpu.memref_slice %arg7[%dma_wait3A_588, %dma_wait3A_589, %dma_wait3A_590] : memref<8x8x1024xf32, #tpu.memory_space<vmem>> -> memref<1x8x1024xf32, #tpu.memory_space<vmem>>
      %dma_wait3A_592 = tpu.memref_squeeze %dma_wait3A_591 : memref<1x8x1024xf32, #tpu.memory_space<vmem>> -> memref<8x1024xf32, #tpu.memory_space<vmem>>
      %dma_wait3A_593 = arith.constant 0 : i32
      %dma_wait3A_594 = tpu.memref_slice %arg5[%mul3A_2, %dma_wait3A_593] : memref<32768x1024xf32, #tpu.memory_space<hbm>> -> memref<8x1024xf32, #tpu.memory_space<hbm>>
      %dma_wait3A_595 = arith.constant 0 : i32
      %dma_wait3A_596 = tpu.memref_slice %arg5[%mul3A_2, %dma_wait3A_595] : memref<32768x1024xf32, #tpu.memory_space<hbm>> -> memref<8x1024xf32, #tpu.memory_space<hbm>>
      %dma_wait3A_597 = arith.constant 0 : i32
      %dma_wait3A_598 = arith.constant 0 : i32
      %dma_wait3A_599 = tpu.memref_slice %arg7[%dma_wait3A_588, %dma_wait3A_597, %dma_wait3A_598] : memref<8x8x1024xf32, #tpu.memory_space<vmem>> -> memref<1x8x1024xf32, #tpu.memory_space<vmem>>
      %dma_wait3A_600 = tpu.memref_squeeze %dma_wait3A_599 : memref<1x8x1024xf32, #tpu.memory_space<vmem>> -> memref<8x1024xf32, #tpu.memory_space<vmem>>
      tpu.wait_dma2 semaphore(%arg22 : memref<!tpu.dma_semaphore, #tpu.memory_space<semaphore_mem>>) src(%dma_wait3A_600 : memref<8x1024xf32, #tpu.memory_space<vmem>>) dst(%dma_wait3A_596 : memref<8x1024xf32, #tpu.memory_space<hbm>>)
      %mul3A_601 = arith.constant 8 : i32
      %mul3A_602 = arith.muli %add3A_587, %mul3A_601 : i32
      %dma_start3A_603 = arith.constant 4 : i32
      %dma_start3A_604 = arith.constant 0 : i32
      %dma_start3A_605 = arith.constant 0 : i32
      %dma_start3A_606 = tpu.memref_slice %arg7[%dma_start3A_603, %dma_start3A_604, %dma_start3A_605] : memref<8x8x1024xf32, #tpu.memory_space<vmem>> -> memref<1x8x1024xf32, #tpu.memory_space<vmem>>
      %dma_start3A_607 = tpu.memref_squeeze %dma_start3A_606 : memref<1x8x1024xf32, #tpu.memory_space<vmem>> -> memref<8x1024xf32, #tpu.memory_space<vmem>>
      %dma_start3A_608 = tpu.memref_slice %arg6[%mul3A_602] : memref<1024xi32, #tpu.memory_space<vmem>> -> memref<8xi32, #tpu.memory_space<vmem>>
      %dma_start3A_609 = arith.constant 0 : i32
      %dma_start3A_610 = arith.constant 0 : i32
      %dma_start3A_611 = tpu.memref_slice %arg3[%dma_start3A_609, %dma_start3A_610] : memref<100000x1024xf32, #tpu.memory_space<hbm>> -> memref<100000x1024xf32, #tpu.memory_space<hbm>>
      tpu.enqueue_indirect_dma source(%dma_start3A_611 : memref<100000x1024xf32, #tpu.memory_space<hbm>>) target(%dma_start3A_607 : memref<8x1024xf32, #tpu.memory_space<vmem>>) offsets(%dma_start3A_608 : memref<8xi32, #tpu.memory_space<vmem>>) semaphore(%arg14 : memref<!tpu.dma_semaphore, #tpu.memory_space<semaphore_mem>>)
      %mul3A_612 = arith.constant 8 : i32
      %mul3A_613 = arith.muli %scan3A_471, %mul3A_612 : i32
      %add3A_614 = arith.constant 5 : i32
      %add3A_615 = arith.addi %mul3A_613, %add3A_614 : i32
      %dma_wait3A_616 = arith.constant 5 : i32
      %dma_wait3A_617 = arith.constant 0 : i32
      %dma_wait3A_618 = arith.constant 0 : i32
      %dma_wait3A_619 = tpu.memref_slice %arg7[%dma_wait3A_616, %dma_wait3A_617, %dma_wait3A_618] : memref<8x8x1024xf32, #tpu.memory_space<vmem>> -> memref<1x8x1024xf32, #tpu.memory_space<vmem>>
      %dma_wait3A_620 = tpu.memref_squeeze %dma_wait3A_619 : memref<1x8x1024xf32, #tpu.memory_space<vmem>> -> memref<8x1024xf32, #tpu.memory_space<vmem>>
      %dma_wait3A_621 = arith.constant 0 : i32
      %dma_wait3A_622 = tpu.memref_slice %arg5[%mul3A_2, %dma_wait3A_621] : memref<32768x1024xf32, #tpu.memory_space<hbm>> -> memref<8x1024xf32, #tpu.memory_space<hbm>>
      %dma_wait3A_623 = arith.constant 0 : i32
      %dma_wait3A_624 = tpu.memref_slice %arg5[%mul3A_2, %dma_wait3A_623] : memref<32768x1024xf32, #tpu.memory_space<hbm>> -> memref<8x1024xf32, #tpu.memory_space<hbm>>
      %dma_wait3A_625 = arith.constant 0 : i32
      %dma_wait3A_626 = arith.constant 0 : i32
      %dma_wait3A_627 = tpu.memref_slice %arg7[%dma_wait3A_616, %dma_wait3A_625, %dma_wait3A_626] : memref<8x8x1024xf32, #tpu.memory_space<vmem>> -> memref<1x8x1024xf32, #tpu.memory_space<vmem>>
      %dma_wait3A_628 = tpu.memref_squeeze %dma_wait3A_627 : memref<1x8x1024xf32, #tpu.memory_space<vmem>> -> memref<8x1024xf32, #tpu.memory_space<vmem>>
      tpu.wait_dma2 semaphore(%arg23 : memref<!tpu.dma_semaphore, #tpu.memory_space<semaphore_mem>>) src(%dma_wait3A_628 : memref<8x1024xf32, #tpu.memory_space<vmem>>) dst(%dma_wait3A_624 : memref<8x1024xf32, #tpu.memory_space<hbm>>)
      %mul3A_629 = arith.constant 8 : i32
      %mul3A_630 = arith.muli %add3A_615, %mul3A_629 : i32
      %dma_start3A_631 = arith.constant 5 : i32
      %dma_start3A_632 = arith.constant 0 : i32
      %dma_start3A_633 = arith.constant 0 : i32
      %dma_start3A_634 = tpu.memref_slice %arg7[%dma_start3A_631, %dma_start3A_632, %dma_start3A_633] : memref<8x8x1024xf32, #tpu.memory_space<vmem>> -> memref<1x8x1024xf32, #tpu.memory_space<vmem>>
      %dma_start3A_635 = tpu.memref_squeeze %dma_start3A_634 : memref<1x8x1024xf32, #tpu.memory_space<vmem>> -> memref<8x1024xf32, #tpu.memory_space<vmem>>
      %dma_start3A_636 = tpu.memref_slice %arg6[%mul3A_630] : memref<1024xi32, #tpu.memory_space<vmem>> -> memref<8xi32, #tpu.memory_space<vmem>>
      %dma_start3A_637 = arith.constant 0 : i32
      %dma_start3A_638 = arith.constant 0 : i32
      %dma_start3A_639 = tpu.memref_slice %arg3[%dma_start3A_637, %dma_start3A_638] : memref<100000x1024xf32, #tpu.memory_space<hbm>> -> memref<100000x1024xf32, #tpu.memory_space<hbm>>
      tpu.enqueue_indirect_dma source(%dma_start3A_639 : memref<100000x1024xf32, #tpu.memory_space<hbm>>) target(%dma_start3A_635 : memref<8x1024xf32, #tpu.memory_space<vmem>>) offsets(%dma_start3A_636 : memref<8xi32, #tpu.memory_space<vmem>>) semaphore(%arg15 : memref<!tpu.dma_semaphore, #tpu.memory_space<semaphore_mem>>)
      %mul3A_640 = arith.constant 8 : i32
      %mul3A_641 = arith.muli %scan3A_471, %mul3A_640 : i32
      %add3A_642 = arith.constant 6 : i32
      %add3A_643 = arith.addi %mul3A_641, %add3A_642 : i32
      %dma_wait3A_644 = arith.constant 6 : i32
      %dma_wait3A_645 = arith.constant 0 : i32
      %dma_wait3A_646 = arith.constant 0 : i32
      %dma_wait3A_647 = tpu.memref_slice %arg7[%dma_wait3A_644, %dma_wait3A_645, %dma_wait3A_646] : memref<8x8x1024xf32, #tpu.memory_space<vmem>> -> memref<1x8x1024xf32, #tpu.memory_space<vmem>>
      %dma_wait3A_648 = tpu.memref_squeeze %dma_wait3A_647 : memref<1x8x1024xf32, #tpu.memory_space<vmem>> -> memref<8x1024xf32, #tpu.memory_space<vmem>>
      %dma_wait3A_649 = arith.constant 0 : i32
      %dma_wait3A_650 = tpu.memref_slice %arg5[%mul3A_2, %dma_wait3A_649] : memref<32768x1024xf32, #tpu.memory_space<hbm>> -> memref<8x1024xf32, #tpu.memory_space<hbm>>
      %dma_wait3A_651 = arith.constant 0 : i32
      %dma_wait3A_652 = tpu.memref_slice %arg5[%mul3A_2, %dma_wait3A_651] : memref<32768x1024xf32, #tpu.memory_space<hbm>> -> memref<8x1024xf32, #tpu.memory_space<hbm>>
      %dma_wait3A_653 = arith.constant 0 : i32
      %dma_wait3A_654 = arith.constant 0 : i32
      %dma_wait3A_655 = tpu.memref_slice %arg7[%dma_wait3A_644, %dma_wait3A_653, %dma_wait3A_654] : memref<8x8x1024xf32, #tpu.memory_space<vmem>> -> memref<1x8x1024xf32, #tpu.memory_space<vmem>>
      %dma_wait3A_656 = tpu.memref_squeeze %dma_wait3A_655 : memref<1x8x1024xf32, #tpu.memory_space<vmem>> -> memref<8x1024xf32, #tpu.memory_space<vmem>>
      tpu.wait_dma2 semaphore(%arg24 : memref<!tpu.dma_semaphore, #tpu.memory_space<semaphore_mem>>) src(%dma_wait3A_656 : memref<8x1024xf32, #tpu.memory_space<vmem>>) dst(%dma_wait3A_652 : memref<8x1024xf32, #tpu.memory_space<hbm>>)
      %mul3A_657 = arith.constant 8 : i32
      %mul3A_658 = arith.muli %add3A_643, %mul3A_657 : i32
      %dma_start3A_659 = arith.constant 6 : i32
      %dma_start3A_660 = arith.constant 0 : i32
      %dma_start3A_661 = arith.constant 0 : i32
      %dma_start3A_662 = tpu.memref_slice %arg7[%dma_start3A_659, %dma_start3A_660, %dma_start3A_661] : memref<8x8x1024xf32, #tpu.memory_space<vmem>> -> memref<1x8x1024xf32, #tpu.memory_space<vmem>>
      %dma_start3A_663 = tpu.memref_squeeze %dma_start3A_662 : memref<1x8x1024xf32, #tpu.memory_space<vmem>> -> memref<8x1024xf32, #tpu.memory_space<vmem>>
      %dma_start3A_664 = tpu.memref_slice %arg6[%mul3A_658] : memref<1024xi32, #tpu.memory_space<vmem>> -> memref<8xi32, #tpu.memory_space<vmem>>
      %dma_start3A_665 = arith.constant 0 : i32
      %dma_start3A_666 = arith.constant 0 : i32
      %dma_start3A_667 = tpu.memref_slice %arg3[%dma_start3A_665, %dma_start3A_666] : memref<100000x1024xf32, #tpu.memory_space<hbm>> -> memref<100000x1024xf32, #tpu.memory_space<hbm>>
      tpu.enqueue_indirect_dma source(%dma_start3A_667 : memref<100000x1024xf32, #tpu.memory_space<hbm>>) target(%dma_start3A_663 : memref<8x1024xf32, #tpu.memory_space<vmem>>) offsets(%dma_start3A_664 : memref<8xi32, #tpu.memory_space<vmem>>) semaphore(%arg16 : memref<!tpu.dma_semaphore, #tpu.memory_space<semaphore_mem>>)
      %mul3A_668 = arith.constant 8 : i32
      %mul3A_669 = arith.muli %scan3A_471, %mul3A_668 : i32
      %add3A_670 = arith.constant 7 : i32
      %add3A_671 = arith.addi %mul3A_669, %add3A_670 : i32
      %dma_wait3A_672 = arith.constant 7 : i32
      %dma_wait3A_673 = arith.constant 0 : i32
      %dma_wait3A_674 = arith.constant 0 : i32
      %dma_wait3A_675 = tpu.memref_slice %arg7[%dma_wait3A_672, %dma_wait3A_673, %dma_wait3A_674] : memref<8x8x1024xf32, #tpu.memory_space<vmem>> -> memref<1x8x1024xf32, #tpu.memory_space<vmem>>
      %dma_wait3A_676 = tpu.memref_squeeze %dma_wait3A_675 : memref<1x8x1024xf32, #tpu.memory_space<vmem>> -> memref<8x1024xf32, #tpu.memory_space<vmem>>
      %dma_wait3A_677 = arith.constant 0 : i32
      %dma_wait3A_678 = tpu.memref_slice %arg5[%mul3A_2, %dma_wait3A_677] : memref<32768x1024xf32, #tpu.memory_space<hbm>> -> memref<8x1024xf32, #tpu.memory_space<hbm>>
      %dma_wait3A_679 = arith.constant 0 : i32
      %dma_wait3A_680 = tpu.memref_slice %arg5[%mul3A_2, %dma_wait3A_679] : memref<32768x1024xf32, #tpu.memory_space<hbm>> -> memref<8x1024xf32, #tpu.memory_space<hbm>>
      %dma_wait3A_681 = arith.constant 0 : i32
      %dma_wait3A_682 = arith.constant 0 : i32
      %dma_wait3A_683 = tpu.memref_slice %arg7[%dma_wait3A_672, %dma_wait3A_681, %dma_wait3A_682] : memref<8x8x1024xf32, #tpu.memory_space<vmem>> -> memref<1x8x1024xf32, #tpu.memory_space<vmem>>
      %dma_wait3A_684 = tpu.memref_squeeze %dma_wait3A_683 : memref<1x8x1024xf32, #tpu.memory_space<vmem>> -> memref<8x1024xf32, #tpu.memory_space<vmem>>
      tpu.wait_dma2 semaphore(%arg25 : memref<!tpu.dma_semaphore, #tpu.memory_space<semaphore_mem>>) src(%dma_wait3A_684 : memref<8x1024xf32, #tpu.memory_space<vmem>>) dst(%dma_wait3A_680 : memref<8x1024xf32, #tpu.memory_space<hbm>>)
      %mul3A_685 = arith.constant 8 : i32
      %mul3A_686 = arith.muli %add3A_671, %mul3A_685 : i32
      %dma_start3A_687 = arith.constant 7 : i32
      %dma_start3A_688 = arith.constant 0 : i32
      %dma_start3A_689 = arith.constant 0 : i32
      %dma_start3A_690 = tpu.memref_slice %arg7[%dma_start3A_687, %dma_start3A_688, %dma_start3A_689] : memref<8x8x1024xf32, #tpu.memory_space<vmem>> -> memref<1x8x1024xf32, #tpu.memory_space<vmem>>
      %dma_start3A_691 = tpu.memref_squeeze %dma_start3A_690 : memref<1x8x1024xf32, #tpu.memory_space<vmem>> -> memref<8x1024xf32, #tpu.memory_space<vmem>>
      %dma_start3A_692 = tpu.memref_slice %arg6[%mul3A_686] : memref<1024xi32, #tpu.memory_space<vmem>> -> memref<8xi32, #tpu.memory_space<vmem>>
      %dma_start3A_693 = arith.constant 0 : i32
      %dma_start3A_694 = arith.constant 0 : i32
      %dma_start3A_695 = tpu.memref_slice %arg3[%dma_start3A_693, %dma_start3A_694] : memref<100000x1024xf32, #tpu.memory_space<hbm>> -> memref<100000x1024xf32, #tpu.memory_space<hbm>>
      tpu.enqueue_indirect_dma source(%dma_start3A_695 : memref<100000x1024xf32, #tpu.memory_space<hbm>>) target(%dma_start3A_691 : memref<8x1024xf32, #tpu.memory_space<vmem>>) offsets(%dma_start3A_692 : memref<8xi32, #tpu.memory_space<vmem>>) semaphore(%arg17 : memref<!tpu.dma_semaphore, #tpu.memory_space<semaphore_mem>>)
      %mul3A_696 = arith.constant 8 : i32
      %mul3A_697 = arith.muli %scan3A_471, %mul3A_696 : i32
      %add3A_698 = arith.constant 0 : i32
      %add3A_699 = arith.addi %mul3A_697, %add3A_698 : i32
      %mul3A_700 = arith.constant 8 : i32
      %mul3A_701 = arith.muli %add3A_699, %mul3A_700 : i32
      %dma_wait3A_702 = arith.constant 0 : i32
      %dma_wait3A_703 = arith.constant 0 : i32
      %dma_wait3A_704 = arith.constant 0 : i32
      %dma_wait3A_705 = tpu.memref_slice %arg7[%dma_wait3A_702, %dma_wait3A_703, %dma_wait3A_704] : memref<8x8x1024xf32, #tpu.memory_space<vmem>> -> memref<1x8x1024xf32, #tpu.memory_space<vmem>>
      %dma_wait3A_706 = tpu.memref_squeeze %dma_wait3A_705 : memref<1x8x1024xf32, #tpu.memory_space<vmem>> -> memref<8x1024xf32, #tpu.memory_space<vmem>>
      %dma_wait3A_707 = tpu.memref_slice %arg6[%mul3A_701] : memref<1024xi32, #tpu.memory_space<vmem>> -> memref<8xi32, #tpu.memory_space<vmem>>
      %dma_wait3A_708 = arith.constant 0 : i32
      %dma_wait3A_709 = arith.constant 0 : i32
      %dma_wait3A_710 = tpu.memref_slice %arg3[%dma_wait3A_708, %dma_wait3A_709] : memref<100000x1024xf32, #tpu.memory_space<hbm>> -> memref<100000x1024xf32, #tpu.memory_space<hbm>>
      tpu.wait_indirect_dma semaphore(%arg10 : memref<!tpu.dma_semaphore, #tpu.memory_space<semaphore_mem>>) src(%dma_wait3A_710 : memref<100000x1024xf32, #tpu.memory_space<hbm>>) dst(%dma_wait3A_706 : memref<8x1024xf32, #tpu.memory_space<vmem>>)
      %mul3A_711 = arith.constant 8 : i32
      %mul3A_712 = arith.muli %add3A_699, %mul3A_711 : i32
      %add3A_713 = arith.addi %mul3A_2, %mul3A_712 : i32
      %dma_start3A_714 = arith.constant 0 : i32
      %dma_start3A_715 = arith.constant 0 : i32
      %dma_start3A_716 = arith.constant 0 : i32
      %dma_start3A_717 = tpu.memref_slice %arg7[%dma_start3A_714, %dma_start3A_715, %dma_start3A_716] : memref<8x8x1024xf32, #tpu.memory_space<vmem>> -> memref<1x8x1024xf32, #tpu.memory_space<vmem>>
      %dma_start3A_718 = tpu.memref_squeeze %dma_start3A_717 : memref<1x8x1024xf32, #tpu.memory_space<vmem>> -> memref<8x1024xf32, #tpu.memory_space<vmem>>
      %dma_start3A_719 = arith.constant 0 : i32
      %dma_start3A_720 = tpu.memref_slice %arg5[%add3A_713, %dma_start3A_719] : memref<32768x1024xf32, #tpu.memory_space<hbm>> -> memref<8x1024xf32, #tpu.memory_space<hbm>>
      %dma_start3A_721 = arith.constant 0 : i32
      %dma_start3A_722 = tpu.memref_slice %arg5[%add3A_713, %dma_start3A_721] : memref<32768x1024xf32, #tpu.memory_space<hbm>> -> memref<8x1024xf32, #tpu.memory_space<hbm>>
      %dma_start3A_723 = arith.constant 0 : i32
      %dma_start3A_724 = arith.constant 0 : i32
      %dma_start3A_725 = tpu.memref_slice %arg7[%dma_start3A_714, %dma_start3A_723, %dma_start3A_724] : memref<8x8x1024xf32, #tpu.memory_space<vmem>> -> memref<1x8x1024xf32, #tpu.memory_space<vmem>>
      %dma_start3A_726 = tpu.memref_squeeze %dma_start3A_725 : memref<1x8x1024xf32, #tpu.memory_space<vmem>> -> memref<8x1024xf32, #tpu.memory_space<vmem>>
      tpu.enqueue_dma source(%dma_start3A_726 : memref<8x1024xf32, #tpu.memory_space<vmem>>) target(%dma_start3A_722 : memref<8x1024xf32, #tpu.memory_space<hbm>>) target_semaphore(%arg18 : memref<!tpu.dma_semaphore, #tpu.memory_space<semaphore_mem>>)
      %mul3A_727 = arith.constant 8 : i32
      %mul3A_728 = arith.muli %scan3A_471, %mul3A_727 : i32
      %add3A_729 = arith.constant 1 : i32
      %add3A_730 = arith.addi %mul3A_728, %add3A_729 : i32
      %mul3A_731 = arith.constant 8 : i32
      %mul3A_732 = arith.muli %add3A_730, %mul3A_731 : i32
      %dma_wait3A_733 = arith.constant 1 : i32
      %dma_wait3A_734 = arith.constant 0 : i32
      %dma_wait3A_735 = arith.constant 0 : i32
      %dma_wait3A_736 = tpu.memref_slice %arg7[%dma_wait3A_733, %dma_wait3A_734, %dma_wait3A_735] : memref<8x8x1024xf32, #tpu.memory_space<vmem>> -> memref<1x8x1024xf32, #tpu.memory_space<vmem>>
      %dma_wait3A_737 = tpu.memref_squeeze %dma_wait3A_736 : memref<1x8x1024xf32, #tpu.memory_space<vmem>> -> memref<8x1024xf32, #tpu.memory_space<vmem>>
      %dma_wait3A_738 = tpu.memref_slice %arg6[%mul3A_732] : memref<1024xi32, #tpu.memory_space<vmem>> -> memref<8xi32, #tpu.memory_space<vmem>>
      %dma_wait3A_739 = arith.constant 0 : i32
      %dma_wait3A_740 = arith.constant 0 : i32
      %dma_wait3A_741 = tpu.memref_slice %arg3[%dma_wait3A_739, %dma_wait3A_740] : memref<100000x1024xf32, #tpu.memory_space<hbm>> -> memref<100000x1024xf32, #tpu.memory_space<hbm>>
      tpu.wait_indirect_dma semaphore(%arg11 : memref<!tpu.dma_semaphore, #tpu.memory_space<semaphore_mem>>) src(%dma_wait3A_741 : memref<100000x1024xf32, #tpu.memory_space<hbm>>) dst(%dma_wait3A_737 : memref<8x1024xf32, #tpu.memory_space<vmem>>)
      %mul3A_742 = arith.constant 8 : i32
      %mul3A_743 = arith.muli %add3A_730, %mul3A_742 : i32
      %add3A_744 = arith.addi %mul3A_2, %mul3A_743 : i32
      %dma_start3A_745 = arith.constant 1 : i32
      %dma_start3A_746 = arith.constant 0 : i32
      %dma_start3A_747 = arith.constant 0 : i32
      %dma_start3A_748 = tpu.memref_slice %arg7[%dma_start3A_745, %dma_start3A_746, %dma_start3A_747] : memref<8x8x1024xf32, #tpu.memory_space<vmem>> -> memref<1x8x1024xf32, #tpu.memory_space<vmem>>
      %dma_start3A_749 = tpu.memref_squeeze %dma_start3A_748 : memref<1x8x1024xf32, #tpu.memory_space<vmem>> -> memref<8x1024xf32, #tpu.memory_space<vmem>>
      %dma_start3A_750 = arith.constant 0 : i32
      %dma_start3A_751 = tpu.memref_slice %arg5[%add3A_744, %dma_start3A_750] : memref<32768x1024xf32, #tpu.memory_space<hbm>> -> memref<8x1024xf32, #tpu.memory_space<hbm>>
      %dma_start3A_752 = arith.constant 0 : i32
      %dma_start3A_753 = tpu.memref_slice %arg5[%add3A_744, %dma_start3A_752] : memref<32768x1024xf32, #tpu.memory_space<hbm>> -> memref<8x1024xf32, #tpu.memory_space<hbm>>
      %dma_start3A_754 = arith.constant 0 : i32
      %dma_start3A_755 = arith.constant 0 : i32
      %dma_start3A_756 = tpu.memref_slice %arg7[%dma_start3A_745, %dma_start3A_754, %dma_start3A_755] : memref<8x8x1024xf32, #tpu.memory_space<vmem>> -> memref<1x8x1024xf32, #tpu.memory_space<vmem>>
      %dma_start3A_757 = tpu.memref_squeeze %dma_start3A_756 : memref<1x8x1024xf32, #tpu.memory_space<vmem>> -> memref<8x1024xf32, #tpu.memory_space<vmem>>
      tpu.enqueue_dma source(%dma_start3A_757 : memref<8x1024xf32, #tpu.memory_space<vmem>>) target(%dma_start3A_753 : memref<8x1024xf32, #tpu.memory_space<hbm>>) target_semaphore(%arg19 : memref<!tpu.dma_semaphore, #tpu.memory_space<semaphore_mem>>)
      %mul3A_758 = arith.constant 8 : i32
      %mul3A_759 = arith.muli %scan3A_471, %mul3A_758 : i32
      %add3A_760 = arith.constant 2 : i32
      %add3A_761 = arith.addi %mul3A_759, %add3A_760 : i32
      %mul3A_762 = arith.constant 8 : i32
      %mul3A_763 = arith.muli %add3A_761, %mul3A_762 : i32
      %dma_wait3A_764 = arith.constant 2 : i32
      %dma_wait3A_765 = arith.constant 0 : i32
      %dma_wait3A_766 = arith.constant 0 : i32
      %dma_wait3A_767 = tpu.memref_slice %arg7[%dma_wait3A_764, %dma_wait3A_765, %dma_wait3A_766] : memref<8x8x1024xf32, #tpu.memory_space<vmem>> -> memref<1x8x1024xf32, #tpu.memory_space<vmem>>
      %dma_wait3A_768 = tpu.memref_squeeze %dma_wait3A_767 : memref<1x8x1024xf32, #tpu.memory_space<vmem>> -> memref<8x1024xf32, #tpu.memory_space<vmem>>
      %dma_wait3A_769 = tpu.memref_slice %arg6[%mul3A_763] : memref<1024xi32, #tpu.memory_space<vmem>> -> memref<8xi32, #tpu.memory_space<vmem>>
      %dma_wait3A_770 = arith.constant 0 : i32
      %dma_wait3A_771 = arith.constant 0 : i32
      %dma_wait3A_772 = tpu.memref_slice %arg3[%dma_wait3A_770, %dma_wait3A_771] : memref<100000x1024xf32, #tpu.memory_space<hbm>> -> memref<100000x1024xf32, #tpu.memory_space<hbm>>
      tpu.wait_indirect_dma semaphore(%arg12 : memref<!tpu.dma_semaphore, #tpu.memory_space<semaphore_mem>>) src(%dma_wait3A_772 : memref<100000x1024xf32, #tpu.memory_space<hbm>>) dst(%dma_wait3A_768 : memref<8x1024xf32, #tpu.memory_space<vmem>>)
      %mul3A_773 = arith.constant 8 : i32
      %mul3A_774 = arith.muli %add3A_761, %mul3A_773 : i32
      %add3A_775 = arith.addi %mul3A_2, %mul3A_774 : i32
      %dma_start3A_776 = arith.constant 2 : i32
      %dma_start3A_777 = arith.constant 0 : i32
      %dma_start3A_778 = arith.constant 0 : i32
      %dma_start3A_779 = tpu.memref_slice %arg7[%dma_start3A_776, %dma_start3A_777, %dma_start3A_778] : memref<8x8x1024xf32, #tpu.memory_space<vmem>> -> memref<1x8x1024xf32, #tpu.memory_space<vmem>>
      %dma_start3A_780 = tpu.memref_squeeze %dma_start3A_779 : memref<1x8x1024xf32, #tpu.memory_space<vmem>> -> memref<8x1024xf32, #tpu.memory_space<vmem>>
      %dma_start3A_781 = arith.constant 0 : i32
      %dma_start3A_782 = tpu.memref_slice %arg5[%add3A_775, %dma_start3A_781] : memref<32768x1024xf32, #tpu.memory_space<hbm>> -> memref<8x1024xf32, #tpu.memory_space<hbm>>
      %dma_start3A_783 = arith.constant 0 : i32
      %dma_start3A_784 = tpu.memref_slice %arg5[%add3A_775, %dma_start3A_783] : memref<32768x1024xf32, #tpu.memory_space<hbm>> -> memref<8x1024xf32, #tpu.memory_space<hbm>>
      %dma_start3A_785 = arith.constant 0 : i32
      %dma_start3A_786 = arith.constant 0 : i32
      %dma_start3A_787 = tpu.memref_slice %arg7[%dma_start3A_776, %dma_start3A_785, %dma_start3A_786] : memref<8x8x1024xf32, #tpu.memory_space<vmem>> -> memref<1x8x1024xf32, #tpu.memory_space<vmem>>
      %dma_start3A_788 = tpu.memref_squeeze %dma_start3A_787 : memref<1x8x1024xf32, #tpu.memory_space<vmem>> -> memref<8x1024xf32, #tpu.memory_space<vmem>>
      tpu.enqueue_dma source(%dma_start3A_788 : memref<8x1024xf32, #tpu.memory_space<vmem>>) target(%dma_start3A_784 : memref<8x1024xf32, #tpu.memory_space<hbm>>) target_semaphore(%arg20 : memref<!tpu.dma_semaphore, #tpu.memory_space<semaphore_mem>>)
      %mul3A_789 = arith.constant 8 : i32
      %mul3A_790 = arith.muli %scan3A_471, %mul3A_789 : i32
      %add3A_791 = arith.constant 3 : i32
      %add3A_792 = arith.addi %mul3A_790, %add3A_791 : i32
      %mul3A_793 = arith.constant 8 : i32
      %mul3A_794 = arith.muli %add3A_792, %mul3A_793 : i32
      %dma_wait3A_795 = arith.constant 3 : i32
      %dma_wait3A_796 = arith.constant 0 : i32
      %dma_wait3A_797 = arith.constant 0 : i32
      %dma_wait3A_798 = tpu.memref_slice %arg7[%dma_wait3A_795, %dma_wait3A_796, %dma_wait3A_797] : memref<8x8x1024xf32, #tpu.memory_space<vmem>> -> memref<1x8x1024xf32, #tpu.memory_space<vmem>>
      %dma_wait3A_799 = tpu.memref_squeeze %dma_wait3A_798 : memref<1x8x1024xf32, #tpu.memory_space<vmem>> -> memref<8x1024xf32, #tpu.memory_space<vmem>>
      %dma_wait3A_800 = tpu.memref_slice %arg6[%mul3A_794] : memref<1024xi32, #tpu.memory_space<vmem>> -> memref<8xi32, #tpu.memory_space<vmem>>
      %dma_wait3A_801 = arith.constant 0 : i32
      %dma_wait3A_802 = arith.constant 0 : i32
      %dma_wait3A_803 = tpu.memref_slice %arg3[%dma_wait3A_801, %dma_wait3A_802] : memref<100000x1024xf32, #tpu.memory_space<hbm>> -> memref<100000x1024xf32, #tpu.memory_space<hbm>>
      tpu.wait_indirect_dma semaphore(%arg13 : memref<!tpu.dma_semaphore, #tpu.memory_space<semaphore_mem>>) src(%dma_wait3A_803 : memref<100000x1024xf32, #tpu.memory_space<hbm>>) dst(%dma_wait3A_799 : memref<8x1024xf32, #tpu.memory_space<vmem>>)
      %mul3A_804 = arith.constant 8 : i32
      %mul3A_805 = arith.muli %add3A_792, %mul3A_804 : i32
      %add3A_806 = arith.addi %mul3A_2, %mul3A_805 : i32
      %dma_start3A_807 = arith.constant 3 : i32
      %dma_start3A_808 = arith.constant 0 : i32
      %dma_start3A_809 = arith.constant 0 : i32
      %dma_start3A_810 = tpu.memref_slice %arg7[%dma_start3A_807, %dma_start3A_808, %dma_start3A_809] : memref<8x8x1024xf32, #tpu.memory_space<vmem>> -> memref<1x8x1024xf32, #tpu.memory_space<vmem>>
      %dma_start3A_811 = tpu.memref_squeeze %dma_start3A_810 : memref<1x8x1024xf32, #tpu.memory_space<vmem>> -> memref<8x1024xf32, #tpu.memory_space<vmem>>
      %dma_start3A_812 = arith.constant 0 : i32
      %dma_start3A_813 = tpu.memref_slice %arg5[%add3A_806, %dma_start3A_812] : memref<32768x1024xf32, #tpu.memory_space<hbm>> -> memref<8x1024xf32, #tpu.memory_space<hbm>>
      %dma_start3A_814 = arith.constant 0 : i32
      %dma_start3A_815 = tpu.memref_slice %arg5[%add3A_806, %dma_start3A_814] : memref<32768x1024xf32, #tpu.memory_space<hbm>> -> memref<8x1024xf32, #tpu.memory_space<hbm>>
      %dma_start3A_816 = arith.constant 0 : i32
      %dma_start3A_817 = arith.constant 0 : i32
      %dma_start3A_818 = tpu.memref_slice %arg7[%dma_start3A_807, %dma_start3A_816, %dma_start3A_817] : memref<8x8x1024xf32, #tpu.memory_space<vmem>> -> memref<1x8x1024xf32, #tpu.memory_space<vmem>>
      %dma_start3A_819 = tpu.memref_squeeze %dma_start3A_818 : memref<1x8x1024xf32, #tpu.memory_space<vmem>> -> memref<8x1024xf32, #tpu.memory_space<vmem>>
      tpu.enqueue_dma source(%dma_start3A_819 : memref<8x1024xf32, #tpu.memory_space<vmem>>) target(%dma_start3A_815 : memref<8x1024xf32, #tpu.memory_space<hbm>>) target_semaphore(%arg21 : memref<!tpu.dma_semaphore, #tpu.memory_space<semaphore_mem>>)
      %mul3A_820 = arith.constant 8 : i32
      %mul3A_821 = arith.muli %scan3A_471, %mul3A_820 : i32
      %add3A_822 = arith.constant 4 : i32
      %add3A_823 = arith.addi %mul3A_821, %add3A_822 : i32
      %mul3A_824 = arith.constant 8 : i32
      %mul3A_825 = arith.muli %add3A_823, %mul3A_824 : i32
      %dma_wait3A_826 = arith.constant 4 : i32
      %dma_wait3A_827 = arith.constant 0 : i32
      %dma_wait3A_828 = arith.constant 0 : i32
      %dma_wait3A_829 = tpu.memref_slice %arg7[%dma_wait3A_826, %dma_wait3A_827, %dma_wait3A_828] : memref<8x8x1024xf32, #tpu.memory_space<vmem>> -> memref<1x8x1024xf32, #tpu.memory_space<vmem>>
      %dma_wait3A_830 = tpu.memref_squeeze %dma_wait3A_829 : memref<1x8x1024xf32, #tpu.memory_space<vmem>> -> memref<8x1024xf32, #tpu.memory_space<vmem>>
      %dma_wait3A_831 = tpu.memref_slice %arg6[%mul3A_825] : memref<1024xi32, #tpu.memory_space<vmem>> -> memref<8xi32, #tpu.memory_space<vmem>>
      %dma_wait3A_832 = arith.constant 0 : i32
      %dma_wait3A_833 = arith.constant 0 : i32
      %dma_wait3A_834 = tpu.memref_slice %arg3[%dma_wait3A_832, %dma_wait3A_833] : memref<100000x1024xf32, #tpu.memory_space<hbm>> -> memref<100000x1024xf32, #tpu.memory_space<hbm>>
      tpu.wait_indirect_dma semaphore(%arg14 : memref<!tpu.dma_semaphore, #tpu.memory_space<semaphore_mem>>) src(%dma_wait3A_834 : memref<100000x1024xf32, #tpu.memory_space<hbm>>) dst(%dma_wait3A_830 : memref<8x1024xf32, #tpu.memory_space<vmem>>)
      %mul3A_835 = arith.constant 8 : i32
      %mul3A_836 = arith.muli %add3A_823, %mul3A_835 : i32
      %add3A_837 = arith.addi %mul3A_2, %mul3A_836 : i32
      %dma_start3A_838 = arith.constant 4 : i32
      %dma_start3A_839 = arith.constant 0 : i32
      %dma_start3A_840 = arith.constant 0 : i32
      %dma_start3A_841 = tpu.memref_slice %arg7[%dma_start3A_838, %dma_start3A_839, %dma_start3A_840] : memref<8x8x1024xf32, #tpu.memory_space<vmem>> -> memref<1x8x1024xf32, #tpu.memory_space<vmem>>
      %dma_start3A_842 = tpu.memref_squeeze %dma_start3A_841 : memref<1x8x1024xf32, #tpu.memory_space<vmem>> -> memref<8x1024xf32, #tpu.memory_space<vmem>>
      %dma_start3A_843 = arith.constant 0 : i32
      %dma_start3A_844 = tpu.memref_slice %arg5[%add3A_837, %dma_start3A_843] : memref<32768x1024xf32, #tpu.memory_space<hbm>> -> memref<8x1024xf32, #tpu.memory_space<hbm>>
      %dma_start3A_845 = arith.constant 0 : i32
      %dma_start3A_846 = tpu.memref_slice %arg5[%add3A_837, %dma_start3A_845] : memref<32768x1024xf32, #tpu.memory_space<hbm>> -> memref<8x1024xf32, #tpu.memory_space<hbm>>
      %dma_start3A_847 = arith.constant 0 : i32
      %dma_start3A_848 = arith.constant 0 : i32
      %dma_start3A_849 = tpu.memref_slice %arg7[%dma_start3A_838, %dma_start3A_847, %dma_start3A_848] : memref<8x8x1024xf32, #tpu.memory_space<vmem>> -> memref<1x8x1024xf32, #tpu.memory_space<vmem>>
      %dma_start3A_850 = tpu.memref_squeeze %dma_start3A_849 : memref<1x8x1024xf32, #tpu.memory_space<vmem>> -> memref<8x1024xf32, #tpu.memory_space<vmem>>
      tpu.enqueue_dma source(%dma_start3A_850 : memref<8x1024xf32, #tpu.memory_space<vmem>>) target(%dma_start3A_846 : memref<8x1024xf32, #tpu.memory_space<hbm>>) target_semaphore(%arg22 : memref<!tpu.dma_semaphore, #tpu.memory_space<semaphore_mem>>)
      %mul3A_851 = arith.constant 8 : i32
      %mul3A_852 = arith.muli %scan3A_471, %mul3A_851 : i32
      %add3A_853 = arith.constant 5 : i32
      %add3A_854 = arith.addi %mul3A_852, %add3A_853 : i32
      %mul3A_855 = arith.constant 8 : i32
      %mul3A_856 = arith.muli %add3A_854, %mul3A_855 : i32
      %dma_wait3A_857 = arith.constant 5 : i32
      %dma_wait3A_858 = arith.constant 0 : i32
      %dma_wait3A_859 = arith.constant 0 : i32
      %dma_wait3A_860 = tpu.memref_slice %arg7[%dma_wait3A_857, %dma_wait3A_858, %dma_wait3A_859] : memref<8x8x1024xf32, #tpu.memory_space<vmem>> -> memref<1x8x1024xf32, #tpu.memory_space<vmem>>
      %dma_wait3A_861 = tpu.memref_squeeze %dma_wait3A_860 : memref<1x8x1024xf32, #tpu.memory_space<vmem>> -> memref<8x1024xf32, #tpu.memory_space<vmem>>
      %dma_wait3A_862 = tpu.memref_slice %arg6[%mul3A_856] : memref<1024xi32, #tpu.memory_space<vmem>> -> memref<8xi32, #tpu.memory_space<vmem>>
      %dma_wait3A_863 = arith.constant 0 : i32
      %dma_wait3A_864 = arith.constant 0 : i32
      %dma_wait3A_865 = tpu.memref_slice %arg3[%dma_wait3A_863, %dma_wait3A_864] : memref<100000x1024xf32, #tpu.memory_space<hbm>> -> memref<100000x1024xf32, #tpu.memory_space<hbm>>
      tpu.wait_indirect_dma semaphore(%arg15 : memref<!tpu.dma_semaphore, #tpu.memory_space<semaphore_mem>>) src(%dma_wait3A_865 : memref<100000x1024xf32, #tpu.memory_space<hbm>>) dst(%dma_wait3A_861 : memref<8x1024xf32, #tpu.memory_space<vmem>>)
      %mul3A_866 = arith.constant 8 : i32
      %mul3A_867 = arith.muli %add3A_854, %mul3A_866 : i32
      %add3A_868 = arith.addi %mul3A_2, %mul3A_867 : i32
      %dma_start3A_869 = arith.constant 5 : i32
      %dma_start3A_870 = arith.constant 0 : i32
      %dma_start3A_871 = arith.constant 0 : i32
      %dma_start3A_872 = tpu.memref_slice %arg7[%dma_start3A_869, %dma_start3A_870, %dma_start3A_871] : memref<8x8x1024xf32, #tpu.memory_space<vmem>> -> memref<1x8x1024xf32, #tpu.memory_space<vmem>>
      %dma_start3A_873 = tpu.memref_squeeze %dma_start3A_872 : memref<1x8x1024xf32, #tpu.memory_space<vmem>> -> memref<8x1024xf32, #tpu.memory_space<vmem>>
      %dma_start3A_874 = arith.constant 0 : i32
      %dma_start3A_875 = tpu.memref_slice %arg5[%add3A_868, %dma_start3A_874] : memref<32768x1024xf32, #tpu.memory_space<hbm>> -> memref<8x1024xf32, #tpu.memory_space<hbm>>
      %dma_start3A_876 = arith.constant 0 : i32
      %dma_start3A_877 = tpu.memref_slice %arg5[%add3A_868, %dma_start3A_876] : memref<32768x1024xf32, #tpu.memory_space<hbm>> -> memref<8x1024xf32, #tpu.memory_space<hbm>>
      %dma_start3A_878 = arith.constant 0 : i32
      %dma_start3A_879 = arith.constant 0 : i32
      %dma_start3A_880 = tpu.memref_slice %arg7[%dma_start3A_869, %dma_start3A_878, %dma_start3A_879] : memref<8x8x1024xf32, #tpu.memory_space<vmem>> -> memref<1x8x1024xf32, #tpu.memory_space<vmem>>
      %dma_start3A_881 = tpu.memref_squeeze %dma_start3A_880 : memref<1x8x1024xf32, #tpu.memory_space<vmem>> -> memref<8x1024xf32, #tpu.memory_space<vmem>>
      tpu.enqueue_dma source(%dma_start3A_881 : memref<8x1024xf32, #tpu.memory_space<vmem>>) target(%dma_start3A_877 : memref<8x1024xf32, #tpu.memory_space<hbm>>) target_semaphore(%arg23 : memref<!tpu.dma_semaphore, #tpu.memory_space<semaphore_mem>>)
      %mul3A_882 = arith.constant 8 : i32
      %mul3A_883 = arith.muli %scan3A_471, %mul3A_882 : i32
      %add3A_884 = arith.constant 6 : i32
      %add3A_885 = arith.addi %mul3A_883, %add3A_884 : i32
      %mul3A_886 = arith.constant 8 : i32
      %mul3A_887 = arith.muli %add3A_885, %mul3A_886 : i32
      %dma_wait3A_888 = arith.constant 6 : i32
      %dma_wait3A_889 = arith.constant 0 : i32
      %dma_wait3A_890 = arith.constant 0 : i32
      %dma_wait3A_891 = tpu.memref_slice %arg7[%dma_wait3A_888, %dma_wait3A_889, %dma_wait3A_890] : memref<8x8x1024xf32, #tpu.memory_space<vmem>> -> memref<1x8x1024xf32, #tpu.memory_space<vmem>>
      %dma_wait3A_892 = tpu.memref_squeeze %dma_wait3A_891 : memref<1x8x1024xf32, #tpu.memory_space<vmem>> -> memref<8x1024xf32, #tpu.memory_space<vmem>>
      %dma_wait3A_893 = tpu.memref_slice %arg6[%mul3A_887] : memref<1024xi32, #tpu.memory_space<vmem>> -> memref<8xi32, #tpu.memory_space<vmem>>
      %dma_wait3A_894 = arith.constant 0 : i32
      %dma_wait3A_895 = arith.constant 0 : i32
      %dma_wait3A_896 = tpu.memref_slice %arg3[%dma_wait3A_894, %dma_wait3A_895] : memref<100000x1024xf32, #tpu.memory_space<hbm>> -> memref<100000x1024xf32, #tpu.memory_space<hbm>>
      tpu.wait_indirect_dma semaphore(%arg16 : memref<!tpu.dma_semaphore, #tpu.memory_space<semaphore_mem>>) src(%dma_wait3A_896 : memref<100000x1024xf32, #tpu.memory_space<hbm>>) dst(%dma_wait3A_892 : memref<8x1024xf32, #tpu.memory_space<vmem>>)
      %mul3A_897 = arith.constant 8 : i32
      %mul3A_898 = arith.muli %add3A_885, %mul3A_897 : i32
      %add3A_899 = arith.addi %mul3A_2, %mul3A_898 : i32
      %dma_start3A_900 = arith.constant 6 : i32
      %dma_start3A_901 = arith.constant 0 : i32
      %dma_start3A_902 = arith.constant 0 : i32
      %dma_start3A_903 = tpu.memref_slice %arg7[%dma_start3A_900, %dma_start3A_901, %dma_start3A_902] : memref<8x8x1024xf32, #tpu.memory_space<vmem>> -> memref<1x8x1024xf32, #tpu.memory_space<vmem>>
      %dma_start3A_904 = tpu.memref_squeeze %dma_start3A_903 : memref<1x8x1024xf32, #tpu.memory_space<vmem>> -> memref<8x1024xf32, #tpu.memory_space<vmem>>
      %dma_start3A_905 = arith.constant 0 : i32
      %dma_start3A_906 = tpu.memref_slice %arg5[%add3A_899, %dma_start3A_905] : memref<32768x1024xf32, #tpu.memory_space<hbm>> -> memref<8x1024xf32, #tpu.memory_space<hbm>>
      %dma_start3A_907 = arith.constant 0 : i32
      %dma_start3A_908 = tpu.memref_slice %arg5[%add3A_899, %dma_start3A_907] : memref<32768x1024xf32, #tpu.memory_space<hbm>> -> memref<8x1024xf32, #tpu.memory_space<hbm>>
      %dma_start3A_909 = arith.constant 0 : i32
      %dma_start3A_910 = arith.constant 0 : i32
      %dma_start3A_911 = tpu.memref_slice %arg7[%dma_start3A_900, %dma_start3A_909, %dma_start3A_910] : memref<8x8x1024xf32, #tpu.memory_space<vmem>> -> memref<1x8x1024xf32, #tpu.memory_space<vmem>>
      %dma_start3A_912 = tpu.memref_squeeze %dma_start3A_911 : memref<1x8x1024xf32, #tpu.memory_space<vmem>> -> memref<8x1024xf32, #tpu.memory_space<vmem>>
      tpu.enqueue_dma source(%dma_start3A_912 : memref<8x1024xf32, #tpu.memory_space<vmem>>) target(%dma_start3A_908 : memref<8x1024xf32, #tpu.memory_space<hbm>>) target_semaphore(%arg24 : memref<!tpu.dma_semaphore, #tpu.memory_space<semaphore_mem>>)
      %mul3A_913 = arith.constant 8 : i32
      %mul3A_914 = arith.muli %scan3A_471, %mul3A_913 : i32
      %add3A_915 = arith.constant 7 : i32
      %add3A_916 = arith.addi %mul3A_914, %add3A_915 : i32
      %mul3A_917 = arith.constant 8 : i32
      %mul3A_918 = arith.muli %add3A_916, %mul3A_917 : i32
      %dma_wait3A_919 = arith.constant 7 : i32
      %dma_wait3A_920 = arith.constant 0 : i32
      %dma_wait3A_921 = arith.constant 0 : i32
      %dma_wait3A_922 = tpu.memref_slice %arg7[%dma_wait3A_919, %dma_wait3A_920, %dma_wait3A_921] : memref<8x8x1024xf32, #tpu.memory_space<vmem>> -> memref<1x8x1024xf32, #tpu.memory_space<vmem>>
      %dma_wait3A_923 = tpu.memref_squeeze %dma_wait3A_922 : memref<1x8x1024xf32, #tpu.memory_space<vmem>> -> memref<8x1024xf32, #tpu.memory_space<vmem>>
      %dma_wait3A_924 = tpu.memref_slice %arg6[%mul3A_918] : memref<1024xi32, #tpu.memory_space<vmem>> -> memref<8xi32, #tpu.memory_space<vmem>>
      %dma_wait3A_925 = arith.constant 0 : i32
      %dma_wait3A_926 = arith.constant 0 : i32
      %dma_wait3A_927 = tpu.memref_slice %arg3[%dma_wait3A_925, %dma_wait3A_926] : memref<100000x1024xf32, #tpu.memory_space<hbm>> -> memref<100000x1024xf32, #tpu.memory_space<hbm>>
      tpu.wait_indirect_dma semaphore(%arg17 : memref<!tpu.dma_semaphore, #tpu.memory_space<semaphore_mem>>) src(%dma_wait3A_927 : memref<100000x1024xf32, #tpu.memory_space<hbm>>) dst(%dma_wait3A_923 : memref<8x1024xf32, #tpu.memory_space<vmem>>)
      %mul3A_928 = arith.constant 8 : i32
      %mul3A_929 = arith.muli %add3A_916, %mul3A_928 : i32
      %add3A_930 = arith.addi %mul3A_2, %mul3A_929 : i32
      %dma_start3A_931 = arith.constant 7 : i32
      %dma_start3A_932 = arith.constant 0 : i32
      %dma_start3A_933 = arith.constant 0 : i32
      %dma_start3A_934 = tpu.memref_slice %arg7[%dma_start3A_931, %dma_start3A_932, %dma_start3A_933] : memref<8x8x1024xf32, #tpu.memory_space<vmem>> -> memref<1x8x1024xf32, #tpu.memory_space<vmem>>
      %dma_start3A_935 = tpu.memref_squeeze %dma_start3A_934 : memref<1x8x1024xf32, #tpu.memory_space<vmem>> -> memref<8x1024xf32, #tpu.memory_space<vmem>>
      %dma_start3A_936 = arith.constant 0 : i32
      %dma_start3A_937 = tpu.memref_slice %arg5[%add3A_930, %dma_start3A_936] : memref<32768x1024xf32, #tpu.memory_space<hbm>> -> memref<8x1024xf32, #tpu.memory_space<hbm>>
      %dma_start3A_938 = arith.constant 0 : i32
      %dma_start3A_939 = tpu.memref_slice %arg5[%add3A_930, %dma_start3A_938] : memref<32768x1024xf32, #tpu.memory_space<hbm>> -> memref<8x1024xf32, #tpu.memory_space<hbm>>
      %dma_start3A_940 = arith.constant 0 : i32
      %dma_start3A_941 = arith.constant 0 : i32
      %dma_start3A_942 = tpu.memref_slice %arg7[%dma_start3A_931, %dma_start3A_940, %dma_start3A_941] : memref<8x8x1024xf32, #tpu.memory_space<vmem>> -> memref<1x8x1024xf32, #tpu.memory_space<vmem>>
      %dma_start3A_943 = tpu.memref_squeeze %dma_start3A_942 : memref<1x8x1024xf32, #tpu.memory_space<vmem>> -> memref<8x1024xf32, #tpu.memory_space<vmem>>
      tpu.enqueue_dma source(%dma_start3A_943 : memref<8x1024xf32, #tpu.memory_space<vmem>>) target(%dma_start3A_939 : memref<8x1024xf32, #tpu.memory_space<hbm>>) target_semaphore(%arg25 : memref<!tpu.dma_semaphore, #tpu.memory_space<semaphore_mem>>)
    }
    %scan3A_329 = arith.constant 15 : i32
    %dma_wait3A_330 = arith.constant 0 : i32
    %dma_wait3A_331 = arith.constant 0 : i32
    %dma_wait3A_332 = arith.constant 0 : i32
    %dma_wait3A_333 = tpu.memref_slice %arg7[%dma_wait3A_330, %dma_wait3A_331, %dma_wait3A_332] : memref<8x8x1024xf32, #tpu.memory_space<vmem>> -> memref<1x8x1024xf32, #tpu.memory_space<vmem>>
    %dma_wait3A_334 = tpu.memref_squeeze %dma_wait3A_333 : memref<1x8x1024xf32, #tpu.memory_space<vmem>> -> memref<8x1024xf32, #tpu.memory_space<vmem>>
    %dma_wait3A_335 = arith.constant 0 : i32
    %dma_wait3A_336 = tpu.memref_slice %arg5[%mul3A_2, %dma_wait3A_335] : memref<32768x1024xf32, #tpu.memory_space<hbm>> -> memref<8x1024xf32, #tpu.memory_space<hbm>>
    %dma_wait3A_337 = arith.constant 0 : i32
    %dma_wait3A_338 = tpu.memref_slice %arg5[%mul3A_2, %dma_wait3A_337] : memref<32768x1024xf32, #tpu.memory_space<hbm>> -> memref<8x1024xf32, #tpu.memory_space<hbm>>
    %dma_wait3A_339 = arith.constant 0 : i32
    %dma_wait3A_340 = arith.constant 0 : i32
    %dma_wait3A_341 = tpu.memref_slice %arg7[%dma_wait3A_330, %dma_wait3A_339, %dma_wait3A_340] : memref<8x8x1024xf32, #tpu.memory_space<vmem>> -> memref<1x8x1024xf32, #tpu.memory_space<vmem>>
    %dma_wait3A_342 = tpu.memref_squeeze %dma_wait3A_341 : memref<1x8x1024xf32, #tpu.memory_space<vmem>> -> memref<8x1024xf32, #tpu.memory_space<vmem>>
    tpu.wait_dma2 semaphore(%arg18 : memref<!tpu.dma_semaphore, #tpu.memory_space<semaphore_mem>>) src(%dma_wait3A_342 : memref<8x1024xf32, #tpu.memory_space<vmem>>) dst(%dma_wait3A_338 : memref<8x1024xf32, #tpu.memory_space<hbm>>)
    %dma_wait3A_343 = arith.constant 1 : i32
    %dma_wait3A_344 = arith.constant 0 : i32
    %dma_wait3A_345 = arith.constant 0 : i32
    %dma_wait3A_346 = tpu.memref_slice %arg7[%dma_wait3A_343, %dma_wait3A_344, %dma_wait3A_345] : memref<8x8x1024xf32, #tpu.memory_space<vmem>> -> memref<1x8x1024xf32, #tpu.memory_space<vmem>>
    %dma_wait3A_347 = tpu.memref_squeeze %dma_wait3A_346 : memref<1x8x1024xf32, #tpu.memory_space<vmem>> -> memref<8x1024xf32, #tpu.memory_space<vmem>>
    %dma_wait3A_348 = arith.constant 0 : i32
    %dma_wait3A_349 = tpu.memref_slice %arg5[%mul3A_2, %dma_wait3A_348] : memref<32768x1024xf32, #tpu.memory_space<hbm>> -> memref<8x1024xf32, #tpu.memory_space<hbm>>
    %dma_wait3A_350 = arith.constant 0 : i32
    %dma_wait3A_351 = tpu.memref_slice %arg5[%mul3A_2, %dma_wait3A_350] : memref<32768x1024xf32, #tpu.memory_space<hbm>> -> memref<8x1024xf32, #tpu.memory_space<hbm>>
    %dma_wait3A_352 = arith.constant 0 : i32
    %dma_wait3A_353 = arith.constant 0 : i32
    %dma_wait3A_354 = tpu.memref_slice %arg7[%dma_wait3A_343, %dma_wait3A_352, %dma_wait3A_353] : memref<8x8x1024xf32, #tpu.memory_space<vmem>> -> memref<1x8x1024xf32, #tpu.memory_space<vmem>>
    %dma_wait3A_355 = tpu.memref_squeeze %dma_wait3A_354 : memref<1x8x1024xf32, #tpu.memory_space<vmem>> -> memref<8x1024xf32, #tpu.memory_space<vmem>>
    tpu.wait_dma2 semaphore(%arg19 : memref<!tpu.dma_semaphore, #tpu.memory_space<semaphore_mem>>) src(%dma_wait3A_355 : memref<8x1024xf32, #tpu.memory_space<vmem>>) dst(%dma_wait3A_351 : memref<8x1024xf32, #tpu.memory_space<hbm>>)
    %dma_wait3A_356 = arith.constant 2 : i32
    %dma_wait3A_357 = arith.constant 0 : i32
    %dma_wait3A_358 = arith.constant 0 : i32
    %dma_wait3A_359 = tpu.memref_slice %arg7[%dma_wait3A_356, %dma_wait3A_357, %dma_wait3A_358] : memref<8x8x1024xf32, #tpu.memory_space<vmem>> -> memref<1x8x1024xf32, #tpu.memory_space<vmem>>
    %dma_wait3A_360 = tpu.memref_squeeze %dma_wait3A_359 : memref<1x8x1024xf32, #tpu.memory_space<vmem>> -> memref<8x1024xf32, #tpu.memory_space<vmem>>
    %dma_wait3A_361 = arith.constant 0 : i32
    %dma_wait3A_362 = tpu.memref_slice %arg5[%mul3A_2, %dma_wait3A_361] : memref<32768x1024xf32, #tpu.memory_space<hbm>> -> memref<8x1024xf32, #tpu.memory_space<hbm>>
    %dma_wait3A_363 = arith.constant 0 : i32
    %dma_wait3A_364 = tpu.memref_slice %arg5[%mul3A_2, %dma_wait3A_363] : memref<32768x1024xf32, #tpu.memory_space<hbm>> -> memref<8x1024xf32, #tpu.memory_space<hbm>>
    %dma_wait3A_365 = arith.constant 0 : i32
    %dma_wait3A_366 = arith.constant 0 : i32
    %dma_wait3A_367 = tpu.memref_slice %arg7[%dma_wait3A_356, %dma_wait3A_365, %dma_wait3A_366] : memref<8x8x1024xf32, #tpu.memory_space<vmem>> -> memref<1x8x1024xf32, #tpu.memory_space<vmem>>
    %dma_wait3A_368 = tpu.memref_squeeze %dma_wait3A_367 : memref<1x8x1024xf32, #tpu.memory_space<vmem>> -> memref<8x1024xf32, #tpu.memory_space<vmem>>
    tpu.wait_dma2 semaphore(%arg20 : memref<!tpu.dma_semaphore, #tpu.memory_space<semaphore_mem>>) src(%dma_wait3A_368 : memref<8x1024xf32, #tpu.memory_space<vmem>>) dst(%dma_wait3A_364 : memref<8x1024xf32, #tpu.memory_space<hbm>>)
    %dma_wait3A_369 = arith.constant 3 : i32
    %dma_wait3A_370 = arith.constant 0 : i32
    %dma_wait3A_371 = arith.constant 0 : i32
    %dma_wait3A_372 = tpu.memref_slice %arg7[%dma_wait3A_369, %dma_wait3A_370, %dma_wait3A_371] : memref<8x8x1024xf32, #tpu.memory_space<vmem>> -> memref<1x8x1024xf32, #tpu.memory_space<vmem>>
    %dma_wait3A_373 = tpu.memref_squeeze %dma_wait3A_372 : memref<1x8x1024xf32, #tpu.memory_space<vmem>> -> memref<8x1024xf32, #tpu.memory_space<vmem>>
    %dma_wait3A_374 = arith.constant 0 : i32
    %dma_wait3A_375 = tpu.memref_slice %arg5[%mul3A_2, %dma_wait3A_374] : memref<32768x1024xf32, #tpu.memory_space<hbm>> -> memref<8x1024xf32, #tpu.memory_space<hbm>>
    %dma_wait3A_376 = arith.constant 0 : i32
    %dma_wait3A_377 = tpu.memref_slice %arg5[%mul3A_2, %dma_wait3A_376] : memref<32768x1024xf32, #tpu.memory_space<hbm>> -> memref<8x1024xf32, #tpu.memory_space<hbm>>
    %dma_wait3A_378 = arith.constant 0 : i32
    %dma_wait3A_379 = arith.constant 0 : i32
    %dma_wait3A_380 = tpu.memref_slice %arg7[%dma_wait3A_369, %dma_wait3A_378, %dma_wait3A_379] : memref<8x8x1024xf32, #tpu.memory_space<vmem>> -> memref<1x8x1024xf32, #tpu.memory_space<vmem>>
    %dma_wait3A_381 = tpu.memref_squeeze %dma_wait3A_380 : memref<1x8x1024xf32, #tpu.memory_space<vmem>> -> memref<8x1024xf32, #tpu.memory_space<vmem>>
    tpu.wait_dma2 semaphore(%arg21 : memref<!tpu.dma_semaphore, #tpu.memory_space<semaphore_mem>>) src(%dma_wait3A_381 : memref<8x1024xf32, #tpu.memory_space<vmem>>) dst(%dma_wait3A_377 : memref<8x1024xf32, #tpu.memory_space<hbm>>)
    %dma_wait3A_382 = arith.constant 4 : i32
    %dma_wait3A_383 = arith.constant 0 : i32
    %dma_wait3A_384 = arith.constant 0 : i32
    %dma_wait3A_385 = tpu.memref_slice %arg7[%dma_wait3A_382, %dma_wait3A_383, %dma_wait3A_384] : memref<8x8x1024xf32, #tpu.memory_space<vmem>> -> memref<1x8x1024xf32, #tpu.memory_space<vmem>>
    %dma_wait3A_386 = tpu.memref_squeeze %dma_wait3A_385 : memref<1x8x1024xf32, #tpu.memory_space<vmem>> -> memref<8x1024xf32, #tpu.memory_space<vmem>>
    %dma_wait3A_387 = arith.constant 0 : i32
    %dma_wait3A_388 = tpu.memref_slice %arg5[%mul3A_2, %dma_wait3A_387] : memref<32768x1024xf32, #tpu.memory_space<hbm>> -> memref<8x1024xf32, #tpu.memory_space<hbm>>
    %dma_wait3A_389 = arith.constant 0 : i32
    %dma_wait3A_390 = tpu.memref_slice %arg5[%mul3A_2, %dma_wait3A_389] : memref<32768x1024xf32, #tpu.memory_space<hbm>> -> memref<8x1024xf32, #tpu.memory_space<hbm>>
    %dma_wait3A_391 = arith.constant 0 : i32
    %dma_wait3A_392 = arith.constant 0 : i32
    %dma_wait3A_393 = tpu.memref_slice %arg7[%dma_wait3A_382, %dma_wait3A_391, %dma_wait3A_392] : memref<8x8x1024xf32, #tpu.memory_space<vmem>> -> memref<1x8x1024xf32, #tpu.memory_space<vmem>>
    %dma_wait3A_394 = tpu.memref_squeeze %dma_wait3A_393 : memref<1x8x1024xf32, #tpu.memory_space<vmem>> -> memref<8x1024xf32, #tpu.memory_space<vmem>>
    tpu.wait_dma2 semaphore(%arg22 : memref<!tpu.dma_semaphore, #tpu.memory_space<semaphore_mem>>) src(%dma_wait3A_394 : memref<8x1024xf32, #tpu.memory_space<vmem>>) dst(%dma_wait3A_390 : memref<8x1024xf32, #tpu.memory_space<hbm>>)
    %dma_wait3A_395 = arith.constant 5 : i32
    %dma_wait3A_396 = arith.constant 0 : i32
    %dma_wait3A_397 = arith.constant 0 : i32
    %dma_wait3A_398 = tpu.memref_slice %arg7[%dma_wait3A_395, %dma_wait3A_396, %dma_wait3A_397] : memref<8x8x1024xf32, #tpu.memory_space<vmem>> -> memref<1x8x1024xf32, #tpu.memory_space<vmem>>
    %dma_wait3A_399 = tpu.memref_squeeze %dma_wait3A_398 : memref<1x8x1024xf32, #tpu.memory_space<vmem>> -> memref<8x1024xf32, #tpu.memory_space<vmem>>
    %dma_wait3A_400 = arith.constant 0 : i32
    %dma_wait3A_401 = tpu.memref_slice %arg5[%mul3A_2, %dma_wait3A_400] : memref<32768x1024xf32, #tpu.memory_space<hbm>> -> memref<8x1024xf32, #tpu.memory_space<hbm>>
    %dma_wait3A_402 = arith.constant 0 : i32
    %dma_wait3A_403 = tpu.memref_slice %arg5[%mul3A_2, %dma_wait3A_402] : memref<32768x1024xf32, #tpu.memory_space<hbm>> -> memref<8x1024xf32, #tpu.memory_space<hbm>>
    %dma_wait3A_404 = arith.constant 0 : i32
    %dma_wait3A_405 = arith.constant 0 : i32
    %dma_wait3A_406 = tpu.memref_slice %arg7[%dma_wait3A_395, %dma_wait3A_404, %dma_wait3A_405] : memref<8x8x1024xf32, #tpu.memory_space<vmem>> -> memref<1x8x1024xf32, #tpu.memory_space<vmem>>
    %dma_wait3A_407 = tpu.memref_squeeze %dma_wait3A_406 : memref<1x8x1024xf32, #tpu.memory_space<vmem>> -> memref<8x1024xf32, #tpu.memory_space<vmem>>
    tpu.wait_dma2 semaphore(%arg23 : memref<!tpu.dma_semaphore, #tpu.memory_space<semaphore_mem>>) src(%dma_wait3A_407 : memref<8x1024xf32, #tpu.memory_space<vmem>>) dst(%dma_wait3A_403 : memref<8x1024xf32, #tpu.memory_space<hbm>>)
    %dma_wait3A_408 = arith.constant 6 : i32
    %dma_wait3A_409 = arith.constant 0 : i32
    %dma_wait3A_410 = arith.constant 0 : i32
    %dma_wait3A_411 = tpu.memref_slice %arg7[%dma_wait3A_408, %dma_wait3A_409, %dma_wait3A_410] : memref<8x8x1024xf32, #tpu.memory_space<vmem>> -> memref<1x8x1024xf32, #tpu.memory_space<vmem>>
    %dma_wait3A_412 = tpu.memref_squeeze %dma_wait3A_411 : memref<1x8x1024xf32, #tpu.memory_space<vmem>> -> memref<8x1024xf32, #tpu.memory_space<vmem>>
    %dma_wait3A_413 = arith.constant 0 : i32
    %dma_wait3A_414 = tpu.memref_slice %arg5[%mul3A_2, %dma_wait3A_413] : memref<32768x1024xf32, #tpu.memory_space<hbm>> -> memref<8x1024xf32, #tpu.memory_space<hbm>>
    %dma_wait3A_415 = arith.constant 0 : i32
    %dma_wait3A_416 = tpu.memref_slice %arg5[%mul3A_2, %dma_wait3A_415] : memref<32768x1024xf32, #tpu.memory_space<hbm>> -> memref<8x1024xf32, #tpu.memory_space<hbm>>
    %dma_wait3A_417 = arith.constant 0 : i32
    %dma_wait3A_418 = arith.constant 0 : i32
    %dma_wait3A_419 = tpu.memref_slice %arg7[%dma_wait3A_408, %dma_wait3A_417, %dma_wait3A_418] : memref<8x8x1024xf32, #tpu.memory_space<vmem>> -> memref<1x8x1024xf32, #tpu.memory_space<vmem>>
    %dma_wait3A_420 = tpu.memref_squeeze %dma_wait3A_419 : memref<1x8x1024xf32, #tpu.memory_space<vmem>> -> memref<8x1024xf32, #tpu.memory_space<vmem>>
    tpu.wait_dma2 semaphore(%arg24 : memref<!tpu.dma_semaphore, #tpu.memory_space<semaphore_mem>>) src(%dma_wait3A_420 : memref<8x1024xf32, #tpu.memory_space<vmem>>) dst(%dma_wait3A_416 : memref<8x1024xf32, #tpu.memory_space<hbm>>)
    %dma_wait3A_421 = arith.constant 7 : i32
    %dma_wait3A_422 = arith.constant 0 : i32
    %dma_wait3A_423 = arith.constant 0 : i32
    %dma_wait3A_424 = tpu.memref_slice %arg7[%dma_wait3A_421, %dma_wait3A_422, %dma_wait3A_423] : memref<8x8x1024xf32, #tpu.memory_space<vmem>> -> memref<1x8x1024xf32, #tpu.memory_space<vmem>>
    %dma_wait3A_425 = tpu.memref_squeeze %dma_wait3A_424 : memref<1x8x1024xf32, #tpu.memory_space<vmem>> -> memref<8x1024xf32, #tpu.memory_space<vmem>>
    %dma_wait3A_426 = arith.constant 0 : i32
    %dma_wait3A_427 = tpu.memref_slice %arg5[%mul3A_2, %dma_wait3A_426] : memref<32768x1024xf32, #tpu.memory_space<hbm>> -> memref<8x1024xf32, #tpu.memory_space<hbm>>
    %dma_wait3A_428 = arith.constant 0 : i32
    %dma_wait3A_429 = tpu.memref_slice %arg5[%mul3A_2, %dma_wait3A_428] : memref<32768x1024xf32, #tpu.memory_space<hbm>> -> memref<8x1024xf32, #tpu.memory_space<hbm>>
    %dma_wait3A_430 = arith.constant 0 : i32
    %dma_wait3A_431 = arith.constant 0 : i32
    %dma_wait3A_432 = tpu.memref_slice %arg7[%dma_wait3A_421, %dma_wait3A_430, %dma_wait3A_431] : memref<8x8x1024xf32, #tpu.memory_space<vmem>> -> memref<1x8x1024xf32, #tpu.memory_space<vmem>>
    %dma_wait3A_433 = tpu.memref_squeeze %dma_wait3A_432 : memref<1x8x1024xf32, #tpu.memory_space<vmem>> -> memref<8x1024xf32, #tpu.memory_space<vmem>>
    tpu.wait_dma2 semaphore(%arg25 : memref<!tpu.dma_semaphore, #tpu.memory_space<semaphore_mem>>) src(%dma_wait3A_433 : memref<8x1024xf32, #tpu.memory_space<vmem>>) dst(%dma_wait3A_429 : memref<8x1024xf32, #tpu.memory_space<hbm>>)
    %add3A_434 = arith.constant 16 : i32
    %add3A_435 = arith.addi %scan3A_119#0, %add3A_434 : i32
    %sub3A_436 = arith.constant 1 : i32
    %sub3A_437 = arith.subi %add3A_435, %sub3A_436 : i32
    %jit3A_438 = arith.constant 16 : i32
    %div3A_439 = arith.divsi %sub3A_437, %jit3A_438 : i32
    %sign3A_440 = arith.constant 0 : i32
    %sign3A_441 = arith.cmpi sgt, %sub3A_437, %sign3A_440 : i32
    %sign3A_442 = arith.extui %sign3A_441 : i1 to i32
    %sign3A_443 = arith.constant 0 : i32
    %sign3A_444 = arith.cmpi slt, %sub3A_437, %sign3A_443 : i32
    %sign3A_445 = arith.extui %sign3A_444 : i1 to i32
    %sign3A_446 = arith.subi %sign3A_442, %sign3A_445 : i32
    %sign3A_447 = arith.constant 0 : i32
    %sign3A_448 = arith.cmpi sgt, %jit3A_438, %sign3A_447 : i32
    %sign3A_449 = arith.extui %sign3A_448 : i1 to i32
    %sign3A_450 = arith.constant 0 : i32
    %sign3A_451 = arith.cmpi slt, %jit3A_438, %sign3A_450 : i32
    %sign3A_452 = arith.extui %sign3A_451 : i1 to i32
    %sign3A_453 = arith.subi %sign3A_449, %sign3A_452 : i32
    %ne3A_454 = arith.cmpi ne, %sign3A_446, %sign3A_453 : i32
    %rem3A_455 = arith.remsi %sub3A_437, %jit3A_438 : i32
    %ne3A_456 = arith.constant 0 : i32
    %ne3A_457 = arith.cmpi ne, %rem3A_455, %ne3A_456 : i32
    %and3A_458 = arith.andi %ne3A_454, %ne3A_457 : i1
    %sub3A_459 = arith.constant 1 : i32
    %sub3A_460 = arith.subi %div3A_439, %sub3A_459 : i32
    %select_n3A_461 = arith.select %and3A_458, %sub3A_460, %div3A_439 : i32
    %while3A = arith.constant 0 : i32
    %while3A_462 = arith.constant 0 : i32
    %while3A_463 = arith.subi %select_n3A_461, %while3A_462 : i32
    %while3A_464 = arith.addi %while3A_462, %while3A_463 : i32
    %while3A_465 = arith.constant 1 : i32
    %while3A_466 = arith.divsi %while3A_463, %while3A_465 : i32
    %while3A_467 = arith.muli %while3A_466, %while3A_465 : i32
    %while3A_468 = arith.addi %while3A_462, %while3A_467 : i32
    %while3A_469 = arith.constant 1 : i32
    scf.for %while3A_471 = %while3A_462 to %while3A_468 step %while3A_469  : i32 {
      %mul3A_472 = arith.constant 16 : i32
      %mul3A_473 = arith.muli %while3A_471, %mul3A_472 : i32
      %get3A = arith.index_cast %mul3A_473 : i32 to index
      %get3A_474 = tpu.vector_load %arg9[%get3A] {strides = array<i32>} : memref<1040xi32, #tpu.memory_space<vmem>>, vector<16xi32>,
      %and3A_475 = arith.constant 1023 : i32
      %and3A_476 = vector.broadcast %and3A_475 : i32 to vector<16xi32>
      %and3A_477 = arith.andi %get3A_474, %and3A_476 : vector<16xi32>
      %shift_right_arithmetic3A = arith.constant 10 : i32
      %shift_right_arithmetic3A_478 = vector.broadcast %shift_right_arithmetic3A : i32 to vector<16xi32>
      %shift_right_arithmetic3A_479 = arith.shrsi %get3A_474, %shift_right_arithmetic3A_478 : vector<16xi32>
      %dma_start3A_480 = arith.constant 0 : i32
      %dma_start3A_481 = arith.constant 0 : i32
      %dma_start3A_482 = tpu.memref_slice %arg4[%dma_start3A_480, %dma_start3A_481] : memref<512x1024xf32, #tpu.memory_space<hbm>> -> memref<512x1024xf32, #tpu.memory_space<hbm>>
      tpu.enqueue_indirect_dma source(%dma_start3A_482 : memref<512x1024xf32, #tpu.memory_space<hbm>>) target(%arg8 : memref<16x1024xf32, #tpu.memory_space<vmem>>) offsets(%and3A_477 : vector<16xi32>) semaphore(%arg26 : memref<!tpu.dma_semaphore, #tpu.memory_space<semaphore_mem>>)
      %dma_wait3A_483 = arith.constant 0 : i32
      %dma_wait3A_484 = arith.constant 0 : i32
      %dma_wait3A_485 = tpu.memref_slice %arg4[%dma_wait3A_483, %dma_wait3A_484] : memref<512x1024xf32, #tpu.memory_space<hbm>> -> memref<512x1024xf32, #tpu.memory_space<hbm>>
      tpu.wait_indirect_dma semaphore(%arg26 : memref<!tpu.dma_semaphore, #tpu.memory_space<semaphore_mem>>) src(%dma_wait3A_485 : memref<512x1024xf32, #tpu.memory_space<hbm>>) dst(%arg8 : memref<16x1024xf32, #tpu.memory_space<vmem>>)
      %dma_start3A_486 = arith.constant 0 : i32
      %dma_start3A_487 = arith.constant 0 : i32
      %dma_start3A_488 = tpu.memref_slice %arg5[%dma_start3A_486, %dma_start3A_487] : memref<32768x1024xf32, #tpu.memory_space<hbm>> -> memref<32768x1024xf32, #tpu.memory_space<hbm>>
      tpu.enqueue_indirect_dma source(%arg8 : memref<16x1024xf32, #tpu.memory_space<vmem>>) target(%dma_start3A_488 : memref<32768x1024xf32, #tpu.memory_space<hbm>>) offsets(%shift_right_arithmetic3A_479 : vector<16xi32>) semaphore(%arg26 : memref<!tpu.dma_semaphore, #tpu.memory_space<semaphore_mem>>)
      %dma_wait3A_489 = arith.constant 0 : i32
      %dma_wait3A_490 = arith.constant 0 : i32
      %dma_wait3A_491 = tpu.memref_slice %arg5[%dma_wait3A_489, %dma_wait3A_490] : memref<32768x1024xf32, #tpu.memory_space<hbm>> -> memref<32768x1024xf32, #tpu.memory_space<hbm>>
      tpu.wait_indirect_dma semaphore(%arg26 : memref<!tpu.dma_semaphore, #tpu.memory_space<semaphore_mem>>) src(%arg8 : memref<16x1024xf32, #tpu.memory_space<vmem>>) dst(%dma_wait3A_491 : memref<32768x1024xf32, #tpu.memory_space<hbm>>)
    }
    %while3A_470 = arith.constant 1 : i32
    scf.for %while3A_471 = %while3A_468 to %while3A_464 step %while3A_470  : i32 {
      %mul3A_472 = arith.constant 16 : i32
      %mul3A_473 = arith.muli %while3A_471, %mul3A_472 : i32
      %get3A = arith.index_cast %mul3A_473 : i32 to index
      %get3A_474 = tpu.vector_load %arg9[%get3A] {strides = array<i32>} : memref<1040xi32, #tpu.memory_space<vmem>>, vector<16xi32>,
      %and3A_475 = arith.constant 1023 : i32
      %and3A_476 = vector.broadcast %and3A_475 : i32 to vector<16xi32>
      %and3A_477 = arith.andi %get3A_474, %and3A_476 : vector<16xi32>
      %shift_right_arithmetic3A = arith.constant 10 : i32
      %shift_right_arithmetic3A_478 = vector.broadcast %shift_right_arithmetic3A : i32 to vector<16xi32>
      %shift_right_arithmetic3A_479 = arith.shrsi %get3A_474, %shift_right_arithmetic3A_478 : vector<16xi32>
      %dma_start3A_480 = arith.constant 0 : i32
      %dma_start3A_481 = arith.constant 0 : i32
      %dma_start3A_482 = tpu.memref_slice %arg4[%dma_start3A_480, %dma_start3A_481] : memref<512x1024xf32, #tpu.memory_space<hbm>> -> memref<512x1024xf32, #tpu.memory_space<hbm>>
      tpu.enqueue_indirect_dma source(%dma_start3A_482 : memref<512x1024xf32, #tpu.memory_space<hbm>>) target(%arg8 : memref<16x1024xf32, #tpu.memory_space<vmem>>) offsets(%and3A_477 : vector<16xi32>) semaphore(%arg26 : memref<!tpu.dma_semaphore, #tpu.memory_space<semaphore_mem>>)
      %dma_wait3A_483 = arith.constant 0 : i32
      %dma_wait3A_484 = arith.constant 0 : i32
      %dma_wait3A_485 = tpu.memref_slice %arg4[%dma_wait3A_483, %dma_wait3A_484] : memref<512x1024xf32, #tpu.memory_space<hbm>> -> memref<512x1024xf32, #tpu.memory_space<hbm>>
      tpu.wait_indirect_dma semaphore(%arg26 : memref<!tpu.dma_semaphore, #tpu.memory_space<semaphore_mem>>) src(%dma_wait3A_485 : memref<512x1024xf32, #tpu.memory_space<hbm>>) dst(%arg8 : memref<16x1024xf32, #tpu.memory_space<vmem>>)
      %dma_start3A_486 = arith.constant 0 : i32
      %dma_start3A_487 = arith.constant 0 : i32
      %dma_start3A_488 = tpu.memref_slice %arg5[%dma_start3A_486, %dma_start3A_487] : memref<32768x1024xf32, #tpu.memory_space<hbm>> -> memref<32768x1024xf32, #tpu.memory_space<hbm>>
      tpu.enqueue_indirect_dma source(%arg8 : memref<16x1024xf32, #tpu.memory_space<vmem>>) target(%dma_start3A_488 : memref<32768x1024xf32, #tpu.memory_space<hbm>>) offsets(%shift_right_arithmetic3A_479 : vector<16xi32>) semaphore(%arg26 : memref<!tpu.dma_semaphore, #tpu.memory_space<semaphore_mem>>)
      %dma_wait3A_489 = arith.constant 0 : i32
      %dma_wait3A_490 = arith.constant 0 : i32
      %dma_wait3A_491 = tpu.memref_slice %arg5[%dma_wait3A_489, %dma_wait3A_490] : memref<32768x1024xf32, #tpu.memory_space<hbm>> -> memref<32768x1024xf32, #tpu.memory_space<hbm>>
      tpu.wait_indirect_dma semaphore(%arg26 : memref<!tpu.dma_semaphore, #tpu.memory_space<semaphore_mem>>) src(%arg8 : memref<16x1024xf32, #tpu.memory_space<vmem>>) dst(%dma_wait3A_491 : memref<32768x1024xf32, #tpu.memory_space<hbm>>)
    }
    return
  }
}

module attributes {stable_mosaic.version = 14 : i64} {
  func.func @_encode_body(%arg0: memref<512x1024xf32, #tpu.memory_space<vmem>>, %arg1: memref<512x64xf32, #tpu.memory_space<vmem>>, %arg2: memref<64x1024xf32, #tpu.memory_space<vmem>>, %arg3: memref<1x1024xf32, #tpu.memory_space<vmem>>, %arg4: memref<512x1024xf32, #tpu.memory_space<vmem>>) attributes {dimension_semantics = [], scalar_prefetch = 0 : i64, scratch_operands = 0 : i64, tpu.core_type = #tpu.core_type<tc>} {
    %get3A = arith.constant 0 : index
    %get3A_0 = arith.constant 0 : index
    %get3A_1 = vector.load %arg0[%get3A, %get3A_0] : memref<512x1024xf32, #tpu.memory_space<vmem>>, vector<512x1024xf32>
    %get3A_2 = arith.constant 0 : index
    %get3A_3 = arith.constant 0 : index
    %get3A_4 = vector.load %arg1[%get3A_2, %get3A_3] : memref<512x64xf32, #tpu.memory_space<vmem>>, vector<512x64xf32>
    %get3A_5 = arith.constant 0 : index
    %get3A_6 = arith.constant 0 : index
    %get3A_7 = vector.load %arg2[%get3A_5, %get3A_6] : memref<64x1024xf32, #tpu.memory_space<vmem>>, vector<64x1024xf32>
    %dot_general3A = arith.constant dense<0.000000e+00> : vector<512x1024xf32>
    %dot_general3A_8 = tpu.matmul %get3A_4, %get3A_7, %dot_general3A {dimension_numbers = #tpu.dot_dimension_numbers<[1], [0], [0], [1], [0, 0, 1, 1], [], []>, transpose_lhs_hint = false} : vector<512x64xf32>, vector<64x1024xf32>, vector<512x1024xf32> -> vector<512x1024xf32>
    %add3A = arith.addf %get3A_1, %dot_general3A_8 : vector<512x1024xf32>
    %get3A_9 = arith.constant 0 : index
    %get3A_10 = arith.constant 0 : index
    %get3A_11 = vector.load %arg3[%get3A_9, %get3A_10] : memref<1x1024xf32, #tpu.memory_space<vmem>>, vector<1x1024xf32>
    %add3A_12 = vector.broadcast %get3A_11 : vector<1x1024xf32> to vector<512x1024xf32>
    %add3A_13 = arith.addf %add3A, %add3A_12 : vector<512x1024xf32>
    %swap3A = arith.constant 0 : index
    %swap3A_14 = arith.constant 0 : index
    %swap3A_15 = vector.load %arg4[%swap3A, %swap3A_14] : memref<512x1024xf32, #tpu.memory_space<vmem>>, vector<512x1024xf32>
    tpu.vector_store %arg4[%swap3A, %swap3A_14], %add3A_13 {strides = array<i32>} : memref<512x1024xf32, #tpu.memory_space<vmem>>, vector<512x1024xf32>,
    return
  }
}

</mosaic_0001>

<sc_bundles>
// kernel: kernel.4.cloned.1.call-start
scs
__scs_entry_jumppad:
0x0: {  	(pc) =	sbr.rel $0x88, $3  }
0x1: {  	(tag) =	ssettag $0x0;
	lr =	simm.s32 $0x1  }
0x2: {  	[smem:$0x3F9B] =	sst lr;
	_ =	strace $0xD0000000  }
0x3: {  	_ = 	snop  }
0x4: {  	_ = 	snop  }
0x5: {  	_ = 	snop  }
0x6: {  	_ = 	snop  }
0x7: {  	_ = 	snop  }
__scs_overlays_trampoline_lowered:
0x8: {  	[smem:$0x3FAA] =	sst s0  }
0x9: {  	[smem:$0x3FAB] =	sst s1  }
0xa: {  	[smem:$0x3FAC] =	sst s2  }
0xb: {  	[smem:$0x3FAD] =	sst s3  }
0xc: {  	[smem:$0x3FAE] =	sst s4  }
0xd: {  	[smem:$0x3FAF] =	sst s5  }
0xe: {  	[smem:$0x3FB0] =	sst s6  }
0xf: {  	[smem:$0x3FB1] =	sst s7  }
0x10: {  	[smem:$0x3FB2] =	sst s8  }
0x11: {  	[smem:$0x3FB3] =	sst s9;
	s0 =	simm.s32 @!p0 $0x0  }
0x12: {  	s1 =	sld [smem:$0x3F99];
	s0 =	simm.s32 @p0 $0x1  }
0x13: {  	[smem:$0x3FB4] =	sst s0;
	s0 =	simm.s32 @!p1 $0x0  }
0x14: {  	s2 =	sld [smem:$0x3F98];
	s0 =	simm.s32 @p1 $0x1  }
0x15: {  	[smem:$0x3FB5] =	sst s0;
	s0 =	simm.s32 @!p2 $0x0  }
0x16: {  	s3 =	sld [smem:$0x3FDB];
	s0 =	simm.s32 @p2 $0x1  }
0x17: {  	s4 =	simm.s32 $0x1BF5;
	[smem:$0x3FB7] =	sst s0  }
0x18: {  	s0 =	sld [smem:$0x3F9A];
	_ =	swait.ge [sflag:s4], $0x0  }
0x19: {  	s7 =	sld [smem:$0x3F9B]  }
0x1a: {  	s8 =	sadd.s32 $0xFFFFE003, lr  }
0x1b: {  	s9 =	sadd.s32 $0xFFFFFEF7, lr;
	s5 =	simm.s32 $0xFFFFFFFF;
	p2 =	slt.u32 s8, $0xFFFFF086  }
0x1c: {  	p1 =	slt.u32 s9, $0xF7A;
	s5 =	simm.s32 @!p2 $0x0  }
0x1d: {  	s5 =	simm.s32 @p1 $0x1;
	p0 =	seq.s32 s7, s2  }
0x1e: {  	s7 =	smul.u32 @!p0 $0xF7A, s2;
	p2 =	seq.s32 @!p0 s5, $0x0  }
0x1f: {  	s9 =	smul.u32 $0xF7A, s1;
	s8 =	simm.s32 @!p0 $0x1BF5;
	p2 =	por !p2, p0  }
0x20: {  	[sflag:s8] =	ssyncset.s32 @!p0 $0xFFFFF086;
	s6 =	sadd.s32 @!p0 s3, s7;
	s7 =	simm.s32 @!p0 $0x108  }
0x21: {  	s3 =	sadd.s32 s3, s9;
	s6 =	sadd.s32 @!p0 $0x88, s6;
	s7 =	simm.s32 @p2 $0x1082  }
0x22: {  	[simem:s7], [sflag:s8] =	dma.local @!p0 [hbm:s6], $0xF7A  }
0x23: {  	s9 =	sor.u32 $0xD0000000, s2;
	s6 =	simm.s32 $0x108;
	_ =	swait.ge @!p0 [sflag:s8], $0x0  }
0x24: {  	s3 =	sadd.s32 $0x88, s3;
	s6 =	simm.s32 @!p1 $0x1082;
	[sflag:s4] =	ssyncset.s32 $0xFFFFF086  }
0x25: {  	[simem:s6], [sflag:s4] =	dma.local [hbm:s3], $0xF7A  }
0x26: {  	[smem:$0x3F9B] =	sst s1;
	(tag) =	ssettag s2;
	_ =	strace s9  }
0x27: {  	s1 =	sld [smem:$0x3FAB]  }
0x28: {  	s2 =	sld [smem:$0x3FAC]  }
0x29: {  	s4 =	sld [smem:$0x3FAE]  }
0x2a: {  	p0 =	seq.s32 s5, $0x0;
	s5 =	sld [smem:$0x3FAF]  }
0x2b: {  	s6 =	sld [smem:$0x3FB0]  }
0x2c: {  	s7 =	sld [smem:$0x3FB1]  }
0x2d: {  	s3 =	simm.s32 $0x108;
	s8 =	sld [smem:$0x3FB2]  }
0x2e: {  	s3 =	simm.s32 @!p0 $0x1082;
	s9 =	sld [smem:$0x3FB3]  }
0x2f: {  	lr =	sadd.s32 s0, s3;
	s0 =	sld [smem:$0x3FAA]  }
0x30: {  	s3 =	sld [smem:$0x3FAD]  }
0x31: {  	[smem:$0x3FB6] =	sst s10  }
0x32: {  	s10 =	sld [smem:$0x3FB4];
	_ =	sdelay $0x3  }
0x33: {  	p0 =	seq.s32 s10, $0x1;
	s10 =	sld [smem:$0x3FB6];
	_ =	sdelay $0x3  }
0x34: {  	[smem:$0x3FB6] =	sst s10  }
0x35: {  	s10 =	sld [smem:$0x3FB5];
	_ =	sdelay $0x3  }
0x36: {  	p1 =	seq.s32 s10, $0x1;
	s10 =	sld [smem:$0x3FB6];
	_ =	sdelay $0x3  }
0x37: {  	[smem:$0x3FB6] =	sst s10  }
0x38: {  	s10 =	sld [smem:$0x3FB7]  }
0x39: {  	_ = 	snop;
	(pc) =	sbr.ind lr, $3  }
0x3a: {  	_ = 	snop  }
0x3b: {  	_ = 	snop  }
0x3c: {  	p2 =	seq.s32 s10, $0x1;
	s10 =	sld [smem:$0x3FB6]  }
0x3d: {  	_ =	shalt  }
0x3e: {  	_ =	shalt  }
0x3f: {  	_ =	shalt  }
0x40: {  	_ =	shalt  }
0x41: {  	_ =	shalt  }
0x42: {  	_ =	shalt  }
0x43: {  	_ =	shalt  }
0x44: {  	_ =	shalt  }
0x45: {  	_ =	shalt  }
0x46: {  	_ =	shalt  }
0x47: {  	_ =	shalt  }
0x48: {  	_ =	shalt  }
0x49: {  	_ =	shalt  }
0x4a: {  	_ =	shalt  }
0x4b: {  	_ =	shalt  }
0x4c: {  	_ =	shalt  }
0x4d: {  	_ =	shalt  }
0x4e: {  	_ =	shalt  }
0x4f: {  	_ =	shalt  }
0x50: {  	_ =	shalt  }
0x51: {  	_ =	shalt  }
0x52: {  	_ =	shalt  }
0x53: {  	_ =	shalt  }
0x54: {  	_ =	shalt  }
0x55: {  	_ =	shalt  }
0x56: {  	_ =	shalt  }
0x57: {  	_ =	shalt  }
0x58: {  	_ =	shalt  }
0x59: {  	_ =	shalt  }
0x5a: {  	_ =	shalt  }
0x5b: {  	_ =	shalt  }
0x5c: {  	_ =	shalt  }
0x5d: {  	_ =	shalt  }
0x5e: {  	_ =	shalt  }
0x5f: {  	_ =	shalt  }
0x60: {  	_ =	shalt  }
0x61: {  	_ =	shalt  }
0x62: {  	_ =	shalt  }
0x63: {  	_ =	shalt  }
0x64: {  	_ =	shalt  }
0x65: {  	_ =	shalt  }
0x66: {  	_ =	shalt  }
0x67: {  	_ =	shalt  }
0x68: {  	_ =	shalt  }
0x69: {  	_ =	shalt  }
0x6a: {  	_ =	shalt  }
0x6b: {  	_ =	shalt  }
0x6c: {  	_ =	shalt  }
0x6d: {  	_ =	shalt  }
0x6e: {  	_ =	shalt  }
0x6f: {  	_ =	shalt  }
0x70: {  	_ =	shalt  }
0x71: {  	_ =	shalt  }
0x72: {  	_ =	shalt  }
0x73: {  	_ =	shalt  }
0x74: {  	_ =	shalt  }
0x75: {  	_ =	shalt  }
0x76: {  	_ =	shalt  }
0x77: {  	_ =	shalt  }
0x78: {  	_ =	shalt  }
0x79: {  	_ =	shalt  }
0x7a: {  	_ =	shalt  }
0x7b: {  	_ =	shalt  }
0x7c: {  	_ =	shalt  }
0x7d: {  	_ =	shalt  }
0x7e: {  	_ =	shalt  }
0x7f: {  	_ =	shalt  }
0x80: {  	_ =	shalt  }
0x81: {  	_ =	shalt  }
0x82: {  	_ =	shalt  }
0x83: {  	_ =	shalt  }
0x84: {  	_ =	shalt  }
0x85: {  	_ =	shalt  }
0x86: {  	_ =	shalt  }
0x87: {  	_ =	shalt  }
.Lfunc_end0:
.L_simem_size_0:
called_computation_lowered:
.L_overlay_start_0:
0x88: {  	s2 =	sld [smem:$0x3FD9]  }
0x89: {  	s3 =	sld [smem:$0x3FFE];
	_ =	sdelay $0x1  }
0x8a: {  	s1 =	srdreg.scid  }
0x8b: {  	s0 =	sand.u32 $0x1, s1  }
0x8c: {  	s17 =	sshll.u32 s0, $0xA;
	s2 =	sadd.s32 s3, s2  }
0x8d: {  	s2 =	sadd.s32 s2, s17  }
0x8e: {  	[smem:$0x3FC2] =	sst s2  }
0x8f: {  	_ = 	snop  }
0x90: {  	s2 =	sld [smem:$0x3FC9]  }
0x91: {  	s18 =	sld [smem:$0x3FC8]  }
0x92: {  	s4 =	sld [smem:$0x3FD0];
	(tm) =	ssettm $0x1  }
0x93: {  	s5 =	sld [smem:$0x3FFB];
	_ =	sdelay $0x3  }
0x94: {  	_ =	strace s5  }
0x95: {  	s5 =	sld [smem:$0x3FFC];
	_ =	sdelay $0x3  }
0x96: {  	_ =	strace s5  }
0x97: {  	s5 =	sld [smem:$0x3FFD];
	_ =	sdelay $0x3  }
0x98: {  	_ =	strace s5  }
0x99: {  	_ =	strace $0x8FFFFFFF  }
0x9a: {  	s19 =	sld [smem:$0x3FDB];
	_ =	sdelay $0x1  }
0x9b: {  	s6 =	simm.s32 $_scs_section_size  }
0x9c: {  	s7 =	simm.s32 $_size__tile_overlayer_lowered;
	s8 =	simm.s32 $_tile_overlayer_lowered  }
0x9d: {  	s22 =	simm.s32 $0x1BFF;
	s21 =	sshll.u32 s8, $0x1;
	s5 =	sadd.s32 s6, s19  }
0x9e: {  	s9 =	simm.s32 $0x0;
	s20 =	sshll.u32 s7, $0x1;
	s7 =	sadd.s32 s21, s5  }
0x9f: {  	[timem:s9], [sflag:s22] =	dma.local [hbm:s7], s20  }
0xa0: {  	_ =	swait.ge [sflag:s22], s20  }
0xa1: {  	s6 =	ssub.s32 $0x0, s20;
	[sflag:s22] =	ssyncset.done $0x0  }
0xa2: {  	[sflag:s22] =	ssyncadd.s32 s6;
	_ =	sdelay $0x1  }
0xa3: {  	s23 =	simm.s32 $0x1B8B  }
0xa4: {  	_ =	swait.ge [sflag:s23], $0x1  }
0xa5: {  	[sflag:s23] =	ssyncset.done $0x0  }
0xa6: {  	s25 =	simm.s32 $0x1B8E;
	s24 =	sld [smem:$0x3FFE];
	[sflag:s23] =	ssyncadd.s32 $0xFFFFFFFF  }
0xa7: {  	s26 =	simm.s32 $execute0_lowered;
	[smem:$0x3FD2] =	sst s25  }
0xa8: {  	s7 =	sshll.u32 s26, $0x1;
	_ =	strace $0x80000046;
	[dreg:$0x1] =	wrdreg $0xFFFFFFFF  }
0xa9: {  	s28 =	simm.s32 $_size_execute0_lowered;
	s5 =	sadd.s32 s5, s7;
	[dreg:$0x0] =	wrdreg $0x0  }
0xaa: {  	s7 =	sshll.u32 s28, $0x1;
	[dreg:$0x2] =	wrdreg s5  }
0xab: {  	[dreg:$0x3] =	wrdreg s7  }
0xac: {  	[dreg:$0x4] =	wrdreg $0xC0  }
0xad: {  	_ =	task [dreg:s9], $0x5FFFF  }
0xae: {  	[dreg:$0x1] =	wrdreg $0xFFFFFFFF  }
0xaf: {  	[dreg:$0x0] =	wrdreg $0x60  }
0xb0: {  	[dreg:$0x2] =	wrdreg s2  }
0xb1: {  	[dreg:$0x3] =	wrdreg s18  }
0xb2: {  	[dreg:$0x4] =	wrdreg s24  }
0xb3: {  	[dreg:$0x5] =	wrdreg s4  }
0xb4: {  	[dreg:$0x6] =	wrdreg $0x9  }
0xb5: {  	_ =	task.clear_ibuf [dreg:s9], $0x7FFFF;
	_ =	strace $0x90000046  }
0xb6: {  	s29 =	simm.s32 $0x9;
	_ =	strace $0x80000048  }
0xb7: {  	_ =	swait.ge [sflag:s29], $0x1  }
0xb8: {  	[sflag:s29] =	ssyncadd.s32 $0xFFFFFFFF  }
0xb9: {  	_ =	strace $0x90000048  }
0xba: {  	_ =	sfence  }
0xbb: {  	s30 =	sld [smem:$0x0];
	_ =	sdelay $0x2  }
0xbc: {  	s31 =	sshll.u32 s1, $0xD;
	s1 =	sshrl.u32 s1, $0x2  }
0xbd: {  	s3 =	sand.u32 $0x4000, s31;
	s1 =	sadd.s32 s1, s30  }
0xbe: {  	s0 =	sor.u32 s3, s0;
	s1 =	sshll.u32 s1, $0x11  }
0xbf: {  	s0 =	sor.u32 s1, s0  }
0xc0: {  	s0 =	sadd.s32 $0x8F2B, s0  }
0xc1: {  	[sflag:s0] =	ssyncadd.remote.s32 $0x1  }
0xc2: {  	_ =	sfence.sel $0xFFFF  }
0xc3: {  	[dreg:$0x0] =	wrdreg $0xFFFFFFFF;
	(pc) =	sbr.abs _section_cstart, $3  }
0xc4: {  	[dreg:$0x1] =	wrdreg $0xFFFFFFFF  }
0xc5: {  	_ =	task.clear_ibuf [dreg:s9], $0x2FFFF;
	_ =	strace $0x9FFFFFFF  }
0xc6: {  	(tm) =	ssettm $0x7FFFFFFF  }
0xc7: {  	_ =	shalt  }
tec
execute0_lowered:
.L_overlay_start_1:
0x0: {  	(tag) =	ssettag $0x1  }
0x1: {  	s0 =	rddreg [dreg:$0x0]  }
0x2: {  	s1 =	rddreg [dreg:$0x1]  }
0x3: {  	s3 =	rddreg [dreg:$0x2]  }
0x4: {  	s2 =	rddreg [dreg:$0x3]  }
0x5: {  	s4 =	simm.s32 $0x0;
	s6 =	srdreg.scid;
	s12 =	stileid.u32  }
0x6: {  	s13 =	simm.s32 $0x1C00;
	s31 =	simm.s32 $0x2C00;
	s29 =	simm.s32 $0x8C00  }
0x7: {  	s28 =	simm.s32 $0x10C00;
	[smem:$0x7FF] =	sst s4;
	s5 =	sadd.s32 $0xC00, s3  }
0x8: {  	s6 =	sand.u32 $0x1, s6;
	s7 =	sshll.u32 s12, $0x1;
	s14 =	sshll.u32 s12, $0x2  }
0x9: {  	s23 =	sshll.u32 s12, $0xB;
	s24 =	sshll.u32 s12, $0x12;
	s9 =	sor.u32 s6, s7  }
0xa: {  	s8 =	ssub.s32 $0x2, s6;
	s7 =	sand.u32 $0x30, s14;
	s11 =	sshll.u32 s9, $0x9  }
0xb: {  	s10 =	sshrl.u32 s8, $0x1;
	s0 =	sadd.s32 s0, s7;
	s15 =	sand.u32 $0xE00, s11  }
0xc: {  	_ =	strace $0x80000047;
	s10 =	ssub.s32 s8, s10;
	s0 =	sadd.s32 s15, s0  }
0xd: {  	s16 =	sshll.u32 s9, $0x11;
	s30 =	smax.u32 s10, $0x1;
	[dreg:$0x6] =	wrdreg s0  }
0xe: {  	s25 =	sshll.u32 s6, $0xA;
	s0 =	sadd.s32 s2, s16;
	[dreg:$0x10] =	wrdreg s30  }
0xf: {  	s6 =	sshll.u32 s6, $0x11;
	s17 =	sadd.s32 $0x400, s0;
	[dreg:$0x7] =	wrdreg s0  }
0x10: {  	s14 =	simm.s32 $0x12400;
	s18 =	sadd.s32 $0x800, s0;
	[dreg:$0x8] =	wrdreg s17  }
0x11: {  	s7 =	sadd.s32 $0x100, s1;
	s19 =	sadd.s32 $0xC00, s0;
	[dreg:$0x9] =	wrdreg s18  }
0x12: {  	s9 =	sadd.s32 $0x300, s1;
	s20 =	sadd.s32 $0x1000, s0;
	[dreg:$0xa] =	wrdreg s19  }
0x13: {  	s8 =	sadd.s32 $0x200, s1;
	s21 =	sadd.s32 $0x1400, s0;
	[dreg:$0xb] =	wrdreg s20  }
0x14: {  	s11 =	simm.s32 $0x11C00;
	s22 =	sadd.s32 $0x1800, s0;
	[dreg:$0xc] =	wrdreg s21  }
0x15: {  	s15 =	simm.s32 $0x12C00;
	s0 =	sadd.s32 $0x1C00, s0;
	[dreg:$0xd] =	wrdreg s22  }
0x16: {  	s10 =	simm.s32 $0x13C00;
	s16 =	simm.s32 $0x0;
	[dreg:$0xe] =	wrdreg s0  }
0x17: {  	s18 =	sadd.s32 $0xD00, s3;
	s19 =	sadd.s32 $0xE00, s3;
	s20 =	sadd.s32 $0xF00, s3  }
.Ltmp0:
0x18: {  	s3 =	sadd.s32 s24, s2;
	s0 =	sor.u32 s25, s23;
	(pc) =	sbr.rel .LBB2_1-.Ltmp0, $4  }
0x19: {  	s22 =	sadd.s32 $0x100, s2;
	s23 =	sadd.s32 $0x200, s2;
	s24 =	sadd.s32 $0x300, s2  }
0x1a: {  	v4 =	vlaneseq.u32;
	vm0 =	vmmov $0xffff;
	s25 =	simm.s32 $0x10400;
	s17 =	simm.s32 $0x13400;
	s21 =	simm.s32 $0x11  }
0x1b: {  	v2 =	vimm.s32 $0x0;
	v1 =	vshrl.u32 v4, $0x3;
	v0 =	vand.u32 $0x7, v4;
	[dreg:$0xf] =	wrdreg s0;
	s26 =	sadd.s32 s6, s3;
	s3 =	simm.s32 $0x1400  }
0x1c: {  	v3 =	vmul.u32 $0x400, v4;
	v4 =	vor.u32 $0x8, v4;
	v1 =	vmul.u32 $0x8, v1;
	s0 =	simm.s32 $0x14400;
	s6 =	simm.s32 $0x11400;
	[dreg:$0x5] =	wrdreg s26  }
.LBB2_8:
0x1d: {  	[sflag:s21] =	ssyncadd.s32 $0xFFFFC000  }
.LBB2_9:
0x1e: {  	s16 =	sadd.s32 $0x1, s16;
	s12 =	rddreg [dreg:$0x10]  }
0x1f: {  	p0 =	sne.s32 s16, s12  }
.Ltmp1:
0x20: {  	_ = 	snop;
	(pc) =	sbr.rel @!p0 .LBB2_10-.Ltmp1, $2  }
0x21: {  	_ =	sdelay $0x2  }
0x22: {  	s3 =	simm.s32 $0x1400;
	s13 =	simm.s32 $0x1C00;
	s31 =	simm.s32 $0x2C00  }
.LBB2_1:
0x23: {  	[dreg:$0x11] =	wrdreg s16  }
0x24: {  	s12 =	rddreg [dreg:$0x6];
	s16 =	simm.s32 $0x80;
	s26 =	simm.s32 $0x200  }
0x25: {  	[tilespmem:s4], [sflag:$0x12] =	stream.strided.gather [hbm4b:s12+s16], $0x400, s26, s16, $0x38;
	[tilespmem:$0x14880] =	vst v63  }
0x26: {  	s26 =	simm.s32 $0x12  }
0x27: {  	_ =	swait.ge [sflag:s26], $0x400  }
0x28: {  	[sflag:s26] =	ssyncset.done $0x0  }
0x29: {  	[sflag:s26] =	ssyncadd.s32 $0xFFFFFC00  }
0x2a: {  	v5 =	vld.msk [tilespmem:$0x0], $0xff;
	_ =	sdelay $0x4  }
0x2b: {  	v6 =	vshll.u32 v5, $0x3  }
0x2c: {  	v5 =	vand.u32 $0x7, v5;
	v6 =	vand.u32 $0xFFFFFFC0, v6  }
0x2d: {  	v5 =	vor.u32 v5, v6  }
0x2e: {  	v5 =	vperm.xlane v5, v0;
	_ =	sdelay $0x1  }
0x2f: {  	v5 =	vadd.s32 v1, v5;
	_ =	sdelay $0x3  }
0x30: {  	s16 =	simm.s32 $0x400  }
0x31: {  	[tilespmem:s16], [sflag:$0x1] =	stream.indirect_vreg.gather [hbm4b:s1+s4], $0x80, v5, vm0, $0xb8;
	[tilespmem:$0x14880] =	vst v63  }
0x32: {  	s30 =	simm.s32 $0xC00  }
0x33: {  	[tilespmem:s30], [sflag:$0x1] =	stream.indirect_vreg.gather [hbm4b:s7+s4], $0x80, v5, vm0, $0xb8;
	[tilespmem:$0x14880] =	vst v63  }
0x34: {  	_ = 	snop  }
0x35: {  	[tilespmem:s3], [sflag:$0x1] =	stream.indirect_vreg.gather [hbm4b:s8+s4], $0x80, v5, vm0, $0xb8;
	[tilespmem:$0x14880] =	vst v63  }
0x36: {  	_ = 	snop  }
0x37: {  	[tilespmem:s13], [sflag:$0x1] =	stream.indirect_vreg.gather [hbm4b:s9+s4], $0x80, v5, vm0, $0xb8;
	[tilespmem:$0x14880] =	vst v63  }
0x38: {  	v5 =	vld.msk [tilespmem:$0x8], $0xff;
	_ =	sdelay $0x4  }
0x39: {  	v6 =	vshll.u32 v5, $0x3  }
0x3a: {  	v5 =	vand.u32 $0x7, v5;
	v6 =	vand.u32 $0xFFFFFFC0, v6  }
0x3b: {  	v5 =	vor.u32 v5, v6  }
0x3c: {  	v5 =	vperm.xlane v5, v0;
	_ =	sdelay $0x1  }
0x3d: {  	v5 =	vadd.s32 v1, v5;
	_ =	sdelay $0x3  }
0x3e: {  	s13 =	simm.s32 $0x2400  }
0x3f: {  	[tilespmem:s13], [sflag:$0x2] =	stream.indirect_vreg.gather [hbm4b:s1+s4], $0x80, v5, vm0, $0xb8;
	[tilespmem:$0x14880] =	vst v63  }
0x40: {  	_ = 	snop  }
0x41: {  	[tilespmem:s31], [sflag:$0x2] =	stream.indirect_vreg.gather [hbm4b:s7+s4], $0x80, v5, vm0, $0xb8;
	[tilespmem:$0x14880] =	vst v63  }
0x42: {  	s26 =	simm.s32 $0x3400  }
0x43: {  	[tilespmem:s26], [sflag:$0x2] =	stream.indirect_vreg.gather [hbm4b:s8+s4], $0x80, v5, vm0, $0xb8;
	[tilespmem:$0x14880] =	vst v63  }
0x44: {  	s3 =	simm.s32 $0x3C00  }
0x45: {  	[tilespmem:s3], [sflag:$0x2] =	stream.indirect_vreg.gather [hbm4b:s9+s4], $0x80, v5, vm0, $0xb8;
	[tilespmem:$0x14880] =	vst v63  }
0x46: {  	v5 =	vld.msk [tilespmem:$0x10], $0xff;
	_ =	sdelay $0x4  }
0x47: {  	v6 =	vshll.u32 v5, $0x3  }
0x48: {  	v5 =	vand.u32 $0x7, v5;
	v6 =	vand.u32 $0xFFFFFFC0, v6  }
0x49: {  	v5 =	vor.u32 v5, v6  }
0x4a: {  	v5 =	vperm.xlane v5, v0;
	_ =	sdelay $0x1  }
0x4b: {  	v5 =	vadd.s32 v1, v5;
	_ =	sdelay $0x3  }
0x4c: {  	s3 =	simm.s32 $0x4400  }
0x4d: {  	[tilespmem:s3], [sflag:$0x3] =	stream.indirect_vreg.gather [hbm4b:s1+s4], $0x80, v5, vm0, $0xb8;
	[tilespmem:$0x14880] =	vst v63  }
0x4e: {  	s16 =	simm.s32 $0x4C00  }
0x4f: {  	[tilespmem:s16], [sflag:$0x3] =	stream.indirect_vreg.gather [hbm4b:s7+s4], $0x80, v5, vm0, $0xb8;
	[tilespmem:$0x14880] =	vst v63  }
0x50: {  	s26 =	simm.s32 $0x5400  }
0x51: {  	[tilespmem:s26], [sflag:$0x3] =	stream.indirect_vreg.gather [hbm4b:s8+s4], $0x80, v5, vm0, $0xb8;
	[tilespmem:$0x14880] =	vst v63  }
0x52: {  	s16 =	simm.s32 $0x5C00  }
0x53: {  	[tilespmem:s16], [sflag:$0x3] =	stream.indirect_vreg.gather [hbm4b:s9+s4], $0x80, v5, vm0, $0xb8;
	[tilespmem:$0x14880] =	vst v63  }
0x54: {  	v5 =	vld.msk [tilespmem:$0x18], $0xff;
	_ =	sdelay $0x4  }
0x55: {  	v6 =	vshll.u32 v5, $0x3  }
0x56: {  	v5 =	vand.u32 $0x7, v5;
	v6 =	vand.u32 $0xFFFFFFC0, v6  }
0x57: {  	v5 =	vor.u32 v5, v6  }
0x58: {  	v5 =	vperm.xlane v5, v0;
	_ =	sdelay $0x1  }
0x59: {  	v5 =	vadd.s32 v1, v5;
	_ =	sdelay $0x3  }
0x5a: {  	s26 =	simm.s32 $0x6400  }
0x5b: {  	[tilespmem:s26], [sflag:$0x4] =	stream.indirect_vreg.gather [hbm4b:s1+s4], $0x80, v5, vm0, $0xb8;
	[tilespmem:$0x14880] =	vst v63  }
0x5c: {  	s16 =	simm.s32 $0x6C00  }
0x5d: {  	[tilespmem:s16], [sflag:$0x4] =	stream.indirect_vreg.gather [hbm4b:s7+s4], $0x80, v5, vm0, $0xb8;
	[tilespmem:$0x14880] =	vst v63  }
0x5e: {  	s26 =	simm.s32 $0x7400  }
0x5f: {  	[tilespmem:s26], [sflag:$0x4] =	stream.indirect_vreg.gather [hbm4b:s8+s4], $0x80, v5, vm0, $0xb8;
	[tilespmem:$0x14880] =	vst v63  }
0x60: {  	s16 =	simm.s32 $0x7C00  }
0x61: {  	[tilespmem:s16], [sflag:$0x4] =	stream.indirect_vreg.gather [hbm4b:s9+s4], $0x80, v5, vm0, $0xb8;
	[tilespmem:$0x14880] =	vst v63  }
0x62: {  	v5 =	vld.msk [tilespmem:$0x20], $0xff;
	_ =	sdelay $0x4  }
0x63: {  	v6 =	vshll.u32 v5, $0x3  }
0x64: {  	v5 =	vand.u32 $0x7, v5;
	v6 =	vand.u32 $0xFFFFFFC0, v6  }
0x65: {  	v5 =	vor.u32 v5, v6  }
0x66: {  	v5 =	vperm.xlane v5, v0;
	_ =	sdelay $0x1  }
0x67: {  	v5 =	vadd.s32 v1, v5;
	_ =	sdelay $0x3  }
0x68: {  	s26 =	simm.s32 $0x8400  }
0x69: {  	[tilespmem:s26], [sflag:$0x5] =	stream.indirect_vreg.gather [hbm4b:s1+s4], $0x80, v5, vm0, $0xb8;
	[tilespmem:$0x14880] =	vst v63  }
0x6a: {  	_ = 	snop  }
0x6b: {  	[tilespmem:s29], [sflag:$0x5] =	stream.indirect_vreg.gather [hbm4b:s7+s4], $0x80, v5, vm0, $0xb8;
	[tilespmem:$0x14880] =	vst v63  }
0x6c: {  	s16 =	simm.s32 $0x9400  }
0x6d: {  	[tilespmem:s16], [sflag:$0x5] =	stream.indirect_vreg.gather [hbm4b:s8+s4], $0x80, v5, vm0, $0xb8;
	[tilespmem:$0x14880] =	vst v63  }
0x6e: {  	s26 =	simm.s32 $0x9C00  }
0x6f: {  	[tilespmem:s26], [sflag:$0x5] =	stream.indirect_vreg.gather [hbm4b:s9+s4], $0x80, v5, vm0, $0xb8;
	[tilespmem:$0x14880] =	vst v63  }
0x70: {  	v5 =	vld.msk [tilespmem:$0x28], $0xff;
	_ =	sdelay $0x4  }
0x71: {  	v6 =	vshll.u32 v5, $0x3  }
0x72: {  	v5 =	vand.u32 $0x7, v5;
	v6 =	vand.u32 $0xFFFFFFC0, v6  }
0x73: {  	v5 =	vor.u32 v5, v6  }
0x74: {  	v5 =	vperm.xlane v5, v0;
	_ =	sdelay $0x1  }
0x75: {  	v5 =	vadd.s32 v1, v5;
	_ =	sdelay $0x3  }
0x76: {  	s29 =	simm.s32 $0xA400  }
0x77: {  	[tilespmem:s29], [sflag:$0x6] =	stream.indirect_vreg.gather [hbm4b:s1+s4], $0x80, v5, vm0, $0xb8;
	[tilespmem:$0x14880] =	vst v63  }
0x78: {  	s16 =	simm.s32 $0xAC00  }
0x79: {  	[tilespmem:s16], [sflag:$0x6] =	stream.indirect_vreg.gather [hbm4b:s7+s4], $0x80, v5, vm0, $0xb8;
	[tilespmem:$0x14880] =	vst v63  }
0x7a: {  	s26 =	simm.s32 $0xB400  }
0x7b: {  	[tilespmem:s26], [sflag:$0x6] =	stream.indirect_vreg.gather [hbm4b:s8+s4], $0x80, v5, vm0, $0xb8;
	[tilespmem:$0x14880] =	vst v63  }
0x7c: {  	s29 =	simm.s32 $0xBC00  }
0x7d: {  	[tilespmem:s29], [sflag:$0x6] =	stream.indirect_vreg.gather [hbm4b:s9+s4], $0x80, v5, vm0, $0xb8;
	[tilespmem:$0x14880] =	vst v63  }
0x7e: {  	v5 =	vld.msk [tilespmem:$0x30], $0xff;
	_ =	sdelay $0x4  }
0x7f: {  	v6 =	vshll.u32 v5, $0x3  }
0x80: {  	v5 =	vand.u32 $0x7, v5;
	v6 =	vand.u32 $0xFFFFFFC0, v6  }
0x81: {  	v5 =	vor.u32 v5, v6  }
0x82: {  	v5 =	vperm.xlane v5, v0;
	_ =	sdelay $0x1  }
0x83: {  	v5 =	vadd.s32 v1, v5;
	_ =	sdelay $0x3  }
0x84: {  	s16 =	simm.s32 $0xC400  }
0x85: {  	[tilespmem:s16], [sflag:$0x7] =	stream.indirect_vreg.gather [hbm4b:s1+s4], $0x80, v5, vm0, $0xb8;
	[tilespmem:$0x14880] =	vst v63  }
0x86: {  	s26 =	simm.s32 $0xCC00  }
0x87: {  	[tilespmem:s26], [sflag:$0x7] =	stream.indirect_vreg.gather [hbm4b:s7+s4], $0x80, v5, vm0, $0xb8;
	[tilespmem:$0x14880] =	vst v63  }
0x88: {  	s29 =	simm.s32 $0xD400  }
0x89: {  	[tilespmem:s29], [sflag:$0x7] =	stream.indirect_vreg.gather [hbm4b:s8+s4], $0x80, v5, vm0, $0xb8;
	[tilespmem:$0x14880] =	vst v63  }
0x8a: {  	s16 =	simm.s32 $0xDC00  }
0x8b: {  	[tilespmem:s16], [sflag:$0x7] =	stream.indirect_vreg.gather [hbm4b:s9+s4], $0x80, v5, vm0, $0xb8;
	[tilespmem:$0x14880] =	vst v63  }
0x8c: {  	v5 =	vld.msk [tilespmem:$0x38], $0xff;
	_ =	sdelay $0x4  }
0x8d: {  	v6 =	vshll.u32 v5, $0x3  }
0x8e: {  	v5 =	vand.u32 $0x7, v5;
	v6 =	vand.u32 $0xFFFFFFC0, v6  }
0x8f: {  	v5 =	vor.u32 v5, v6  }
0x90: {  	v5 =	vperm.xlane v5, v0;
	_ =	sdelay $0x1  }
0x91: {  	v5 =	vadd.s32 v1, v5;
	_ =	sdelay $0x3  }
0x92: {  	s26 =	smov.u32 s1;
	s29 =	simm.s32 $0xE400  }
0x93: {  	[tilespmem:s29], [sflag:$0x8] =	stream.indirect_vreg.gather [hbm4b:s26+s4], $0x80, v5, vm0, $0xb8;
	[tilespmem:$0x14880] =	vst v63  }
0x94: {  	s12 =	simm.s32 $0xEC00  }
0x95: {  	[tilespmem:s12], [sflag:$0x8] =	stream.indirect_vreg.gather [hbm4b:s7+s4], $0x80, v5, vm0, $0xb8;
	[tilespmem:$0x14880] =	vst v63  }
0x96: {  	s16 =	simm.s32 $0xF400  }
0x97: {  	[tilespmem:s16], [sflag:$0x8] =	stream.indirect_vreg.gather [hbm4b:s8+s4], $0x80, v5, vm0, $0xb8;
	[tilespmem:$0x14880] =	vst v63  }
0x98: {  	s26 =	simm.s32 $0xFC00;
	s29 =	simm.s32 $0x0  }
0x99: {  	[tilespmem:s26], [sflag:$0x8] =	stream.indirect_vreg.gather [hbm4b:s9+s4], $0x80, v5, vm0, $0xb8;
	[tilespmem:$0x14880] =	vst v63  }
0x9a: {  	v5 =	vld [tilespmem:s29+$0x0];
	_ =	sdelay $0x4  }
0x9b: {  	vm1 =	vgt.s32 v5, $0x1849F  }
0x9c: {  	v6 =	vsel vm1, $0x1, v2  }
0x9d: {  	(xrf0) =	vadd.scan.msk.s32 $0xffff, v6;
	_ =	sdelay $0x2  }
0x9e: {  	v6 =	vmov s4  }
0x9f: {  	v6 =	vadd.s32 $0xFFFFFFFF, v6  }
0xa0: {  	v6 =	vbroadcast v6, $0x0  }
0xa1: {  	v7, _, _ =	vpop (xrf0)  }
0xa2: {  	v6 =	vadd.s32 v7, v6  }
0xa3: {  	s1 =	rddreg [dreg:$0xf];
	(v2sf) =	vpush v7, $0xF;
	vm2 =	vgt.s32 v6, $0x0  }
0xa4: {  	v7 =	vmov s1;
	v6 =	vnsel vm2, $0x0, v6  }
0xa5: {  	v7 =	vshll.u32 v7, $0xA  }
0xa6: {  	v7 =	vor.u32 v3, v7  }
0xa7: {  	v5 =	vadd.s32 v5, v7  }
0xa8: {  	v5 =	vadd.s32 $0xFFFE7B60, v5  }
0xa9: {  	s26 =	simm.s32 $0x10;
	[tilespmem:v6+s0+$0x0] =	vst.idx.msk vm1, v5;
	v5 =	vxor.u32 $0x80000000, v5  }
0xaa: {  	v6 =	vld [tilespmem:s26+$0x0];
	v5 =	vnsel vm1, $0x7FFFFFFF, v5  }
0xab: {  	(xrf0) =	vmax.scan.msk.u32 $0xffff, v5;
	_ =	sdelay $0x3  }
0xac: {  	vm1 =	vgt.s32 v6, $0x1849F  }
0xad: {  	v5 =	vsel vm1, $0x1, v2  }
0xae: {  	(xrf0) =	vadd.scan.msk.s32 $0xffff, v5;
	v7, _, _ =	vpop (xrf0)  }
0xaf: {  	s29 =	spop (v2sf);
	(v2sf) =	vpush v7, $0xF  }
0xb0: {  	s30 =	sadd.s32 $0x0, s29  }
0xb1: {  	v5 =	vmov s30  }
0xb2: {  	v5 =	vadd.s32 $0xFFFFFFFF, v5  }
0xb3: {  	s31 =	sadd.s32 $0x10, s1;
	v5 =	vbroadcast v5, $0x0  }
0xb4: {  	v8 =	vmov s31;
	v9, _, _ =	vpop (xrf0)  }
0xb5: {  	v8 =	vshll.u32 v8, $0xA;
	v10 =	vadd.s32 v9, v5;
	(v2sf) =	vpush v9, $0xF  }
0xb6: {  	v5 =	vor.u32 v3, v8;
	vm2 =	vgt.s32 v10, $0x0  }
0xb7: {  	s12 =	simm.s32 $0x80;
	s16 =	simm.s32 $0xC0;
	s26 =	simm.s32 $0x0;
	v5 =	vadd.s32 v6, v5;
	v6 =	vnsel vm2, $0x0, v10  }
.LBB2_2:
0xb8: {  	s29 =	smov.u32 s26  }
0xb9: {  	p0 =	sne.s32 s16, $0xFC0;
	_ =	sdelay $0x1  }
0xba: {  	v5 =	vadd.s32 $0xFFFE7B60, v5  }
0xbb: {  	s26 =	sshra.s32 s12, $0x2;
	s12 =	smov.u32 s16;
	[tilespmem:v6+s0+$0x0] =	vst.idx.msk vm1, v5;
	v5 =	vxor.u32 $0x80000000, v5  }
0xbc: {  	v6 =	vld [tilespmem:s26+$0x0];
	v5 =	vnsel vm1, $0x7FFFFFFF, v5  }
0xbd: {  	s31 =	sadd.s32 $0x10, s31;
	(xrf0) =	vmax.scan.msk.u32 $0xffff, v5;
	s26 =	spop (v2sf)  }
0xbe: {  	v5 =	vmov s31;
	s26 =	sxor.u32 $0x80000000, s26  }
0xbf: {  	v5 =	vshll.u32 v5, $0xA;
	p1 =	sgt.s32 s29, s26  }
0xc0: {  	v5 =	vor.u32 v3, v5;
	s26 =	smov.u32 @p1 s29  }
0xc1: {  	vm1 =	vgt.s32 v6, $0x1849F;
	v5 =	vadd.s32 v6, v5  }
0xc2: {  	v7 =	vsel vm1, $0x1, v2  }
0xc3: {  	(xrf0) =	vadd.scan.msk.s32 $0xffff, v7;
	v6, _, _ =	vpop (xrf0);
	s29 =	spop (v2sf)  }
0xc4: {  	s30 =	sadd.s32 s30, s29;
	(v2sf) =	vpush v6, $0xF  }
0xc5: {  	v6 =	vmov s30  }
0xc6: {  	v6 =	vadd.s32 $0xFFFFFFFF, v6  }
0xc7: {  	v6 =	vbroadcast v6, $0x0;
	_ =	sdelay $0x1  }
.Ltmp2:
0xc8: {  	v7, _, _ =	vpop (xrf0);
	(pc) =	sbr.rel @p0 .LBB2_2-.Ltmp2, $4  }
0xc9: {  	v6 =	vadd.s32 v7, v6;
	(v2sf) =	vpush v7, $0xF  }
0xca: {  	vm2 =	vgt.s32 v6, $0x0  }
0xcb: {  	v6 =	vnsel vm2, $0x0, v6  }
0xcc: {  	s16 =	sadd.s32 $0x40, s16  }
0xcd: {  	_ =	sdelay $0x3  }
0xce: {  	v5 =	vadd.s32 $0xFFFE7B60, v5  }
0xcf: {  	s12 =	sshra.s32 s12, $0x2;
	[tilespmem:v6+s0+$0x0] =	vst.idx.msk vm1, v5  }
0xd0: {  	v6 =	vld [tilespmem:s12+$0x0]  }
0xd1: {  	s16 =	sadd.s32 $0x10, s31  }
0xd2: {  	v7 =	vmov s16  }
0xd3: {  	v7 =	vshll.u32 v7, $0xA  }
0xd4: {  	v7 =	vor.u32 v3, v7  }
0xd5: {  	v5 =	vxor.u32 $0x80000000, v5;
	v7 =	vadd.s32 v6, v7  }
0xd6: {  	v5 =	vnsel vm1, $0x7FFFFFFF, v5;
	vm1 =	vgt.s32 v6, $0x1849F;
	v6 =	vadd.s32 $0xFFFE7B60, v7  }
0xd7: {  	(xrf0) =	vmax.scan.msk.u32 $0xffff, v5;
	v5 =	vsel vm1, $0x1, v2;
	v7 =	vxor.u32 $0x80000000, v6  }
0xd8: {  	(xrf0) =	vadd.scan.msk.s32 $0xffff, v5;
	v5 =	vnsel vm1, $0x7FFFFFFF, v7  }
0xd9: {  	(xrf0) =	vmax.scan.msk.u32 $0xffff, v5;
	_ =	sdelay $0x3  }
0xda: {  	v5, _, _ =	vpop (xrf0)  }
0xdb: {  	(v2sf) =	vpush v5, $0xF;
	v5, _, _ =	vpop (xrf0)  }
0xdc: {  	(v2sf) =	vpush v5, $0xF;
	v7, _, _ =	vpop (xrf0)  }
0xdd: {  	(v2sf) =	vpush v7, $0xF;
	_ =	sdelay $0x4  }
0xde: {  	s29 =	spop (v2sf)  }
0xdf: {  	s16 =	spop (v2sf)  }
0xe0: {  	s16 =	sadd.s32 s30, s16  }
0xe1: {  	v7 =	vmov s16  }
0xe2: {  	v7 =	vadd.s32 $0xFFFFFFFF, v7  }
0xe3: {  	v7 =	vbroadcast v7, $0x0;
	_ =	sdelay $0x1  }
0xe4: {  	s12 =	sxor.u32 $0x80000000, s29;
	v5 =	vadd.s32 v5, v7  }
0xe5: {  	p0 =	sgt.s32 s26, s12;
	vm2 =	vgt.s32 v5, $0x0;
	s29 =	spop (v2sf)  }
0xe6: {  	s12 =	smov.u32 @p0 s26;
	v5 =	vnsel vm2, $0x0, v5;
	s26 =	sxor.u32 $0x80000000, s29;
	s1 =	spop (v2sf)  }
0xe7: {  	p0 =	sgt.s32 s12, s26;
	s30 =	spop (v2sf)  }
0xe8: {  	s26 =	smov.u32 @p0 s12;
	s12 =	sxor.u32 $0x80000000, s30  }
0xe9: {  	p0 =	sgt.s32 s26, s12  }
0xea: {  	s12 =	smov.u32 @p0 s26  }
0xeb: {  	[tilespmem:v5+s0+$0x0] =	vst.idx.msk vm1, v6;
	s1 =	sadd.s32 s16, s1;
	v5 =	vmov s12  }
0xec: {  	s16 =	simm.s32 $0x1;
	[dreg:$0x12] =	wrdreg s1;
	[tilespmem:s1+$0x14400] =	vst v5  }
0xed: {  	_ =	swait.ge [sflag:s16], $0x2000  }
0xee: {  	s31 =	simm.s32 $0x0;
	s29 =	simm.s32 $0x400;
	[sflag:s16] =	ssyncset.done $0x0  }
0xef: {  	s26 =	rddreg [dreg:$0x7];
	[sflag:s16] =	ssyncadd.s32 $0xFFFFE000;
	s16 =	simm.s32 $0x2  }
0xf0: {  	[hbm4b:s26+s31] =	stream.linear.scatter [tilespmem:s29], [sflag:$0x9], $0x2000, $0x38;
	[tilespmem:$0x14880] =	vst v63  }
0xf1: {  	_ =	swait.ge [sflag:s16], $0x2000  }
0xf2: {  	[sflag:s16] =	ssyncset.done $0x0  }
0xf3: {  	s29 =	simm.s32 $0x3;
	s26 =	rddreg [dreg:$0x8];
	[sflag:s16] =	ssyncadd.s32 $0xFFFFE000  }
0xf4: {  	[hbm4b:s26+s31] =	stream.linear.scatter [tilespmem:s13], [sflag:$0xA], $0x2000, $0x38;
	[tilespmem:$0x14880] =	vst v63  }
0xf5: {  	_ =	swait.ge [sflag:s29], $0x2000  }
0xf6: {  	[sflag:s29] =	ssyncset.done $0x0  }
0xf7: {  	s13 =	simm.s32 $0x4;
	s1 =	rddreg [dreg:$0x9];
	[sflag:s29] =	ssyncadd.s32 $0xFFFFE000  }
0xf8: {  	[hbm4b:s1+s31] =	stream.linear.scatter [tilespmem:s3], [sflag:$0xB], $0x2000, $0x38;
	[tilespmem:$0x14880] =	vst v63  }
0xf9: {  	_ =	swait.ge [sflag:s13], $0x2000  }
0xfa: {  	s26 =	simm.s32 $0x6400;
	[sflag:s13] =	ssyncset.done $0x0  }
0xfb: {  	s29 =	simm.s32 $0x5;
	s16 =	rddreg [dreg:$0xa];
	[sflag:s13] =	ssyncadd.s32 $0xFFFFE000  }
0xfc: {  	[hbm4b:s16+s31] =	stream.linear.scatter [tilespmem:s26], [sflag:$0xC], $0x2000, $0x38;
	[tilespmem:$0x14880] =	vst v63  }
0xfd: {  	_ =	swait.ge [sflag:s29], $0x2000  }
0xfe: {  	s3 =	simm.s32 $0x8400;
	[sflag:s29] =	ssyncset.done $0x0  }
0xff: {  	s13 =	simm.s32 $0x6;
	s1 =	rddreg [dreg:$0xb];
	[sflag:s29] =	ssyncadd.s32 $0xFFFFE000  }
0x100: {  	[hbm4b:s1+s31] =	stream.linear.scatter [tilespmem:s3], [sflag:$0xD], $0x2000, $0x38;
	[tilespmem:$0x14880] =	vst v63  }
0x101: {  	_ =	swait.ge [sflag:s13], $0x2000  }
0x102: {  	s26 =	simm.s32 $0xA400;
	[sflag:s13] =	ssyncset.done $0x0  }
0x103: {  	s29 =	simm.s32 $0x7;
	s16 =	rddreg [dreg:$0xc];
	[sflag:s13] =	ssyncadd.s32 $0xFFFFE000  }
0x104: {  	[hbm4b:s16+s31] =	stream.linear.scatter [tilespmem:s26], [sflag:$0xE], $0x2000, $0x38;
	[tilespmem:$0x14880] =	vst v63  }
0x105: {  	_ =	swait.ge [sflag:s29], $0x2000  }
0x106: {  	s13 =	simm.s32 $0x8;
	[sflag:s29] =	ssyncset.done $0x0  }
0x107: {  	s16 =	simm.s32 $0xC400;
	s3 =	rddreg [dreg:$0xd];
	[sflag:s29] =	ssyncadd.s32 $0xFFFFE000  }
0x108: {  	[hbm4b:s3+s31] =	stream.linear.scatter [tilespmem:s16], [sflag:$0xF], $0x2000, $0x38;
	[tilespmem:$0x14880] =	vst v63  }
0x109: {  	_ =	swait.ge [sflag:s13], $0x2000  }
0x10a: {  	[sflag:s13] =	ssyncset.done $0x0  }
0x10b: {  	s29 =	simm.s32 $0xE400;
	s26 =	rddreg [dreg:$0xe];
	[sflag:s13] =	ssyncadd.s32 $0xFFFFE000  }
0x10c: {  	[hbm4b:s26+s31] =	stream.linear.scatter [tilespmem:s29], [sflag:$0x10], $0x2000, $0x38;
	[tilespmem:$0x14880] =	vst v63  }
0x10d: {  	s30 =	simm.s32 $0x78;
	s12 =	simm.s32 $0xE400;
	s1 =	rddreg [dreg:$0x1]  }
.LBB2_4:
0x10e: {  	s3 =	simm.s32 $0x9  }
0x10f: {  	_ =	swait.ge [sflag:s3], $0x2000  }
0x110: {  	[sflag:s3] =	ssyncset.done $0x0  }
0x111: {  	[sflag:s3] =	ssyncadd.s32 $0xFFFFE000  }
0x112: {  	v5 =	vld.msk [tilespmem:s30+$0xFFFFFFC8], $0xff;
	_ =	sdelay $0x4  }
0x113: {  	v6 =	vshll.u32 v5, $0x3  }
0x114: {  	v5 =	vand.u32 $0x7, v5;
	v6 =	vand.u32 $0xFFFFFFC0, v6  }
0x115: {  	v5 =	vor.u32 v5, v6  }
0x116: {  	v5 =	vperm.xlane v5, v0;
	_ =	sdelay $0x1  }
0x117: {  	v5 =	vadd.s32 v1, v5;
	_ =	sdelay $0x3  }
0x118: {  	s29 =	simm.s32 $0x400  }
0x119: {  	[tilespmem:s29], [sflag:$0x1] =	stream.indirect_vreg.gather [hbm4b:s1+s4], $0x80, v5, vm0, $0xb8;
	[tilespmem:$0x14880] =	vst v63  }
0x11a: {  	s13 =	simm.s32 $0xC00  }
0x11b: {  	[tilespmem:s13], [sflag:$0x1] =	stream.indirect_vreg.gather [hbm4b:s7+s4], $0x80, v5, vm0, $0xb8;
	[tilespmem:$0x14880] =	vst v63  }
0x11c: {  	s26 =	simm.s32 $0x1400  }
0x11d: {  	[tilespmem:s26], [sflag:$0x1] =	stream.indirect_vreg.gather [hbm4b:s8+s4], $0x80, v5, vm0, $0xb8;
	[tilespmem:$0x14880] =	vst v63  }
0x11e: {  	s29 =	simm.s32 $0x1C00;
	s13 =	simm.s32 $0xA  }
0x11f: {  	[tilespmem:s29], [sflag:$0x1] =	stream.indirect_vreg.gather [hbm4b:s9+s4], $0x80, v5, vm0, $0xb8;
	[tilespmem:$0x14880] =	vst v63  }
0x120: {  	_ =	swait.ge [sflag:s13], $0x2000  }
0x121: {  	[sflag:s13] =	ssyncset.done $0x0  }
0x122: {  	[sflag:s13] =	ssyncadd.s32 $0xFFFFE000  }
0x123: {  	v5 =	vld.msk [tilespmem:s30+$0xFFFFFFD0], $0xff;
	_ =	sdelay $0x4  }
0x124: {  	v6 =	vshll.u32 v5, $0x3  }
0x125: {  	v5 =	vand.u32 $0x7, v5;
	v6 =	vand.u32 $0xFFFFFFC0, v6  }
0x126: {  	v5 =	vor.u32 v5, v6  }
0x127: {  	v5 =	vperm.xlane v5, v0;
	_ =	sdelay $0x1  }
0x128: {  	v5 =	vadd.s32 v1, v5;
	_ =	sdelay $0x3  }
0x129: {  	s26 =	simm.s32 $0x2400  }
0x12a: {  	[tilespmem:s26], [sflag:$0x2] =	stream.indirect_vreg.gather [hbm4b:s1+s4], $0x80, v5, vm0, $0xb8;
	[tilespmem:$0x14880] =	vst v63  }
0x12b: {  	s29 =	simm.s32 $0x2C00  }
0x12c: {  	[tilespmem:s29], [sflag:$0x2] =	stream.indirect_vreg.gather [hbm4b:s7+s4], $0x80, v5, vm0, $0xb8;
	[tilespmem:$0x14880] =	vst v63  }
0x12d: {  	s13 =	simm.s32 $0x3400  }
0x12e: {  	[tilespmem:s13], [sflag:$0x2] =	stream.indirect_vreg.gather [hbm4b:s8+s4], $0x80, v5, vm0, $0xb8;
	[tilespmem:$0x14880] =	vst v63  }
0x12f: {  	s26 =	simm.s32 $0x3C00;
	s29 =	simm.s32 $0xB  }
0x130: {  	[tilespmem:s26], [sflag:$0x2] =	stream.indirect_vreg.gather [hbm4b:s9+s4], $0x80, v5, vm0, $0xb8;
	[tilespmem:$0x14880] =	vst v63  }
0x131: {  	_ =	swait.ge [sflag:s29], $0x2000  }
0x132: {  	[sflag:s29] =	ssyncset.done $0x0  }
0x133: {  	[sflag:s29] =	ssyncadd.s32 $0xFFFFE000  }
0x134: {  	v5 =	vld.msk [tilespmem:s30+$0xFFFFFFD8], $0xff;
	_ =	sdelay $0x4  }
0x135: {  	v6 =	vshll.u32 v5, $0x3  }
0x136: {  	v5 =	vand.u32 $0x7, v5;
	v6 =	vand.u32 $0xFFFFFFC0, v6  }
0x137: {  	v5 =	vor.u32 v5, v6  }
0x138: {  	v5 =	vperm.xlane v5, v0;
	_ =	sdelay $0x1  }
0x139: {  	v5 =	vadd.s32 v1, v5;
	_ =	sdelay $0x3  }
0x13a: {  	s13 =	simm.s32 $0x4400  }
0x13b: {  	[tilespmem:s13], [sflag:$0x3] =	stream.indirect_vreg.gather [hbm4b:s1+s4], $0x80, v5, vm0, $0xb8;
	[tilespmem:$0x14880] =	vst v63  }
0x13c: {  	s26 =	simm.s32 $0x4C00  }
0x13d: {  	[tilespmem:s26], [sflag:$0x3] =	stream.indirect_vreg.gather [hbm4b:s7+s4], $0x80, v5, vm0, $0xb8;
	[tilespmem:$0x14880] =	vst v63  }
0x13e: {  	s29 =	simm.s32 $0x5400  }
0x13f: {  	[tilespmem:s29], [sflag:$0x3] =	stream.indirect_vreg.gather [hbm4b:s8+s4], $0x80, v5, vm0, $0xb8;
	[tilespmem:$0x14880] =	vst v63  }
0x140: {  	s13 =	simm.s32 $0x5C00;
	s26 =	simm.s32 $0xC  }
0x141: {  	[tilespmem:s13], [sflag:$0x3] =	stream.indirect_vreg.gather [hbm4b:s9+s4], $0x80, v5, vm0, $0xb8;
	[tilespmem:$0x14880] =	vst v63  }
0x142: {  	_ =	swait.ge [sflag:s26], $0x2000  }
0x143: {  	[sflag:s26] =	ssyncset.done $0x0  }
0x144: {  	[sflag:s26] =	ssyncadd.s32 $0xFFFFE000  }
0x145: {  	v5 =	vld.msk [tilespmem:s30+$0xFFFFFFE0], $0xff;
	_ =	sdelay $0x4  }
0x146: {  	v6 =	vshll.u32 v5, $0x3  }
0x147: {  	v5 =	vand.u32 $0x7, v5;
	v6 =	vand.u32 $0xFFFFFFC0, v6  }
0x148: {  	v5 =	vor.u32 v5, v6  }
0x149: {  	v5 =	vperm.xlane v5, v0;
	_ =	sdelay $0x1  }
0x14a: {  	v5 =	vadd.s32 v1, v5;
	_ =	sdelay $0x3  }
0x14b: {  	s29 =	simm.s32 $0x6400  }
0x14c: {  	[tilespmem:s29], [sflag:$0x4] =	stream.indirect_vreg.gather [hbm4b:s1+s4], $0x80, v5, vm0, $0xb8;
	[tilespmem:$0x14880] =	vst v63  }
0x14d: {  	s13 =	simm.s32 $0x6C00  }
0x14e: {  	[tilespmem:s13], [sflag:$0x4] =	stream.indirect_vreg.gather [hbm4b:s7+s4], $0x80, v5, vm0, $0xb8;
	[tilespmem:$0x14880] =	vst v63  }
0x14f: {  	s26 =	simm.s32 $0x7400  }
0x150: {  	[tilespmem:s26], [sflag:$0x4] =	stream.indirect_vreg.gather [hbm4b:s8+s4], $0x80, v5, vm0, $0xb8;
	[tilespmem:$0x14880] =	vst v63  }
0x151: {  	s29 =	simm.s32 $0x7C00;
	s13 =	simm.s32 $0xD  }
0x152: {  	[tilespmem:s29], [sflag:$0x4] =	stream.indirect_vreg.gather [hbm4b:s9+s4], $0x80, v5, vm0, $0xb8;
	[tilespmem:$0x14880] =	vst v63  }
0x153: {  	_ =	swait.ge [sflag:s13], $0x2000  }
0x154: {  	[sflag:s13] =	ssyncset.done $0x0  }
0x155: {  	[sflag:s13] =	ssyncadd.s32 $0xFFFFE000  }
0x156: {  	v5 =	vld.msk [tilespmem:s30+$0xFFFFFFE8], $0xff;
	_ =	sdelay $0x4  }
0x157: {  	v6 =	vshll.u32 v5, $0x3  }
0x158: {  	v5 =	vand.u32 $0x7, v5;
	v6 =	vand.u32 $0xFFFFFFC0, v6  }
0x159: {  	v5 =	vor.u32 v5, v6  }
0x15a: {  	v5 =	vperm.xlane v5, v0;
	_ =	sdelay $0x1  }
0x15b: {  	v5 =	vadd.s32 v1, v5;
	_ =	sdelay $0x3  }
0x15c: {  	s26 =	simm.s32 $0x8400  }
0x15d: {  	[tilespmem:s26], [sflag:$0x5] =	stream.indirect_vreg.gather [hbm4b:s1+s4], $0x80, v5, vm0, $0xb8;
	[tilespmem:$0x14880] =	vst v63  }
0x15e: {  	s29 =	simm.s32 $0x8C00  }
0x15f: {  	[tilespmem:s29], [sflag:$0x5] =	stream.indirect_vreg.gather [hbm4b:s7+s4], $0x80, v5, vm0, $0xb8;
	[tilespmem:$0x14880] =	vst v63  }
0x160: {  	s13 =	simm.s32 $0x9400  }
0x161: {  	[tilespmem:s13], [sflag:$0x5] =	stream.indirect_vreg.gather [hbm4b:s8+s4], $0x80, v5, vm0, $0xb8;
	[tilespmem:$0x14880] =	vst v63  }
0x162: {  	s26 =	simm.s32 $0x9C00;
	s29 =	simm.s32 $0xE  }
0x163: {  	[tilespmem:s26], [sflag:$0x5] =	stream.indirect_vreg.gather [hbm4b:s9+s4], $0x80, v5, vm0, $0xb8;
	[tilespmem:$0x14880] =	vst v63  }
0x164: {  	_ =	swait.ge [sflag:s29], $0x2000  }
0x165: {  	[sflag:s29] =	ssyncset.done $0x0  }
0x166: {  	[sflag:s29] =	ssyncadd.s32 $0xFFFFE000  }
0x167: {  	v5 =	vld.msk [tilespmem:s30+$0xFFFFFFF0], $0xff;
	_ =	sdelay $0x4  }
0x168: {  	v6 =	vshll.u32 v5, $0x3  }
0x169: {  	v5 =	vand.u32 $0x7, v5;
	v6 =	vand.u32 $0xFFFFFFC0, v6  }
0x16a: {  	v5 =	vor.u32 v5, v6  }
0x16b: {  	v5 =	vperm.xlane v5, v0;
	_ =	sdelay $0x1  }
0x16c: {  	v5 =	vadd.s32 v1, v5;
	_ =	sdelay $0x3  }
0x16d: {  	s26 =	simm.s32 $0xA400  }
0x16e: {  	[tilespmem:s26], [sflag:$0x6] =	stream.indirect_vreg.gather [hbm4b:s1+s4], $0x80, v5, vm0, $0xb8;
	[tilespmem:$0x14880] =	vst v63  }
0x16f: {  	s13 =	simm.s32 $0xAC00  }
0x170: {  	[tilespmem:s13], [sflag:$0x6] =	stream.indirect_vreg.gather [hbm4b:s7+s4], $0x80, v5, vm0, $0xb8;
	[tilespmem:$0x14880] =	vst v63  }
0x171: {  	s29 =	simm.s32 $0xB400  }
0x172: {  	[tilespmem:s29], [sflag:$0x6] =	stream.indirect_vreg.gather [hbm4b:s8+s4], $0x80, v5, vm0, $0xb8;
	[tilespmem:$0x14880] =	vst v63  }
0x173: {  	s13 =	simm.s32 $0xBC00;
	s29 =	simm.s32 $0xF  }
0x174: {  	[tilespmem:s13], [sflag:$0x6] =	stream.indirect_vreg.gather [hbm4b:s9+s4], $0x80, v5, vm0, $0xb8;
	[tilespmem:$0x14880] =	vst v63  }
0x175: {  	_ =	swait.ge [sflag:s29], $0x2000  }
0x176: {  	[sflag:s29] =	ssyncset.done $0x0  }
0x177: {  	[sflag:s29] =	ssyncadd.s32 $0xFFFFE000  }
0x178: {  	v5 =	vld.msk [tilespmem:s30+$0xFFFFFFF8], $0xff;
	_ =	sdelay $0x4  }
0x179: {  	v6 =	vshll.u32 v5, $0x3  }
0x17a: {  	v5 =	vand.u32 $0x7, v5;
	v6 =	vand.u32 $0xFFFFFFC0, v6  }
0x17b: {  	v5 =	vor.u32 v5, v6  }
0x17c: {  	v5 =	vperm.xlane v5, v0;
	_ =	sdelay $0x1  }
0x17d: {  	v5 =	vadd.s32 v1, v5;
	_ =	sdelay $0x4  }
0x17e: {  	[tilespmem:s16], [sflag:$0x7] =	stream.indirect_vreg.gather [hbm4b:s1+s4], $0x80, v5, vm0, $0xb8;
	[tilespmem:$0x14880] =	vst v63  }
0x17f: {  	s13 =	simm.s32 $0xCC00  }
0x180: {  	[tilespmem:s13], [sflag:$0x7] =	stream.indirect_vreg.gather [hbm4b:s7+s4], $0x80, v5, vm0, $0xb8;
	[tilespmem:$0x14880] =	vst v63  }
0x181: {  	s16 =	simm.s32 $0xD400  }
0x182: {  	[tilespmem:s16], [sflag:$0x7] =	stream.indirect_vreg.gather [hbm4b:s8+s4], $0x80, v5, vm0, $0xb8;
	[tilespmem:$0x14880] =	vst v63  }
0x183: {  	s29 =	simm.s32 $0xDC00;
	s13 =	simm.s32 $0x10  }
0x184: {  	[tilespmem:s29], [sflag:$0x7] =	stream.indirect_vreg.gather [hbm4b:s9+s4], $0x80, v5, vm0, $0xb8;
	[tilespmem:$0x14880] =	vst v63  }
0x185: {  	_ =	swait.ge [sflag:s13], $0x2000  }
0x186: {  	[sflag:s13] =	ssyncset.done $0x0  }
0x187: {  	[sflag:s13] =	ssyncadd.s32 $0xFFFFE000  }
0x188: {  	v5 =	vld.msk [tilespmem:s30+$0x0], $0xff;
	_ =	sdelay $0x4  }
0x189: {  	v6 =	vshll.u32 v5, $0x3  }
0x18a: {  	v5 =	vand.u32 $0x7, v5;
	v6 =	vand.u32 $0xFFFFFFC0, v6  }
0x18b: {  	v5 =	vor.u32 v5, v6  }
0x18c: {  	v5 =	vperm.xlane v5, v0;
	_ =	sdelay $0x1  }
0x18d: {  	v5 =	vadd.s32 v1, v5;
	_ =	sdelay $0x4  }
0x18e: {  	[tilespmem:s12], [sflag:$0x8] =	stream.indirect_vreg.gather [hbm4b:s1+s4], $0x80, v5, vm0, $0xb8;
	[tilespmem:$0x14880] =	vst v63  }
0x18f: {  	s16 =	simm.s32 $0xEC00  }
0x190: {  	[tilespmem:s16], [sflag:$0x8] =	stream.indirect_vreg.gather [hbm4b:s7+s4], $0x80, v5, vm0, $0xb8;
	[tilespmem:$0x14880] =	vst v63  }
0x191: {  	s29 =	simm.s32 $0xF400  }
0x192: {  	[tilespmem:s29], [sflag:$0x8] =	stream.indirect_vreg.gather [hbm4b:s8+s4], $0x80, v5, vm0, $0xb8;
	[tilespmem:$0x14880] =	vst v63  }
0x193: {  	s13 =	simm.s32 $0x1;
	s12 =	simm.s32 $0xFC00  }
0x194: {  	[tilespmem:s12], [sflag:$0x8] =	stream.indirect_vreg.gather [hbm4b:s9+s4], $0x80, v5, vm0, $0xb8;
	[tilespmem:$0x14880] =	vst v63  }
0x195: {  	_ =	swait.ge [sflag:s13], $0x2000  }
0x196: {  	s29 =	rddreg [dreg:$0x5]  }
0x197: {  	[sflag:s13] =	ssyncset.done $0x0;
	s12 =	sadd.s32 s31, s29  }
0x198: {  	[sflag:s13] =	ssyncadd.s32 $0xFFFFE000;
	s13 =	simm.s32 $0x400;
	s16 =	sadd.s32 $0x2000, s12  }
0x199: {  	[hbm4b:s16+s4] =	stream.linear.scatter [tilespmem:s13], [sflag:$0x9], $0x2000, $0x38;
	[tilespmem:$0x14880] =	vst v63  }
0x19a: {  	s13 =	simm.s32 $0x2  }
0x19b: {  	_ =	swait.ge [sflag:s13], $0x2000  }
0x19c: {  	[sflag:s13] =	ssyncset.done $0x0  }
0x19d: {  	s16 =	sadd.s32 $0x2400, s12;
	[sflag:s13] =	ssyncadd.s32 $0xFFFFE000;
	s13 =	simm.s32 $0x2400  }
0x19e: {  	[hbm4b:s16+s4] =	stream.linear.scatter [tilespmem:s13], [sflag:$0xA], $0x2000, $0x38;
	[tilespmem:$0x14880] =	vst v63  }
0x19f: {  	s13 =	simm.s32 $0x3  }
0x1a0: {  	_ =	swait.ge [sflag:s13], $0x2000  }
0x1a1: {  	[sflag:s13] =	ssyncset.done $0x0  }
0x1a2: {  	s16 =	sadd.s32 $0x2800, s12;
	[sflag:s13] =	ssyncadd.s32 $0xFFFFE000;
	s13 =	simm.s32 $0x4400  }
0x1a3: {  	[hbm4b:s16+s4] =	stream.linear.scatter [tilespmem:s13], [sflag:$0xB], $0x2000, $0x38;
	[tilespmem:$0x14880] =	vst v63  }
0x1a4: {  	s13 =	simm.s32 $0x4  }
0x1a5: {  	_ =	swait.ge [sflag:s13], $0x2000  }
0x1a6: {  	[sflag:s13] =	ssyncset.done $0x0  }
0x1a7: {  	s16 =	sadd.s32 $0x2C00, s12;
	[sflag:s13] =	ssyncadd.s32 $0xFFFFE000;
	s13 =	simm.s32 $0x6400  }
0x1a8: {  	[hbm4b:s16+s4] =	stream.linear.scatter [tilespmem:s13], [sflag:$0xC], $0x2000, $0x38;
	[tilespmem:$0x14880] =	vst v63  }
0x1a9: {  	s16 =	simm.s32 $0x5  }
0x1aa: {  	_ =	swait.ge [sflag:s16], $0x2000  }
0x1ab: {  	[sflag:s16] =	ssyncset.done $0x0  }
0x1ac: {  	s13 =	simm.s32 $0x8400;
	[sflag:s16] =	ssyncadd.s32 $0xFFFFE000;
	s16 =	sadd.s32 $0x3000, s12  }
0x1ad: {  	[hbm4b:s16+s4] =	stream.linear.scatter [tilespmem:s13], [sflag:$0xD], $0x2000, $0x38;
	[tilespmem:$0x14880] =	vst v63  }
0x1ae: {  	s16 =	simm.s32 $0x6  }
0x1af: {  	_ =	swait.ge [sflag:s16], $0x2000  }
0x1b0: {  	[sflag:s16] =	ssyncset.done $0x0  }
0x1b1: {  	s13 =	sadd.s32 $0x3400, s12;
	[sflag:s16] =	ssyncadd.s32 $0xFFFFE000;
	s16 =	simm.s32 $0x7  }
0x1b2: {  	[hbm4b:s13+s4] =	stream.linear.scatter [tilespmem:s26], [sflag:$0xE], $0x2000, $0x38;
	[tilespmem:$0x14880] =	vst v63  }
0x1b3: {  	_ =	swait.ge [sflag:s16], $0x2000  }
0x1b4: {  	[sflag:s16] =	ssyncset.done $0x0  }
0x1b5: {  	s29 =	simm.s32 $0xC400;
	s26 =	sadd.s32 $0x3800, s12;
	[sflag:s16] =	ssyncadd.s32 $0xFFFFE000  }
0x1b6: {  	[hbm4b:s26+s4] =	stream.linear.scatter [tilespmem:s29], [sflag:$0xF], $0x2000, $0x38;
	[tilespmem:$0x14880] =	vst v63  }
0x1b7: {  	p0 =	sne.s32 s31, $0x1C000;
	s29 =	simm.s32 $0x8  }
.Ltmp3:
0x1b8: {  	_ =	swait.ge [sflag:s29], $0x2000;
	(pc) =	sbr.rel @p0 .LBB2_4-.Ltmp3, $4  }
0x1b9: {  	s3 =	simm.s32 $0xE400;
	[sflag:s29] =	ssyncset.done $0x0  }
0x1ba: {  	s30 =	sadd.s32 $0x40, s30;
	s12 =	sadd.s32 $0x3C00, s12;
	[sflag:s29] =	ssyncadd.s32 $0xFFFFE000  }
0x1bb: {  	[hbm4b:s12+s4] =	stream.linear.scatter [tilespmem:s3], [sflag:$0x10], $0x2000, $0x38;
	[tilespmem:$0x14880] =	vst v63  }
0x1bc: {  	s31 =	sadd.s32 $0x2000, s31;
	s16 =	simm.s32 $0xC400;
	s12 =	simm.s32 $0xE400  }
0x1bd: {  	s3 =	simm.s32 $0x9  }
0x1be: {  	_ =	swait.ge [sflag:s3], $0x2000  }
0x1bf: {  	[sflag:s3] =	ssyncset.done $0x0  }
0x1c0: {  	s12 =	simm.s32 $0xA;
	[sflag:s3] =	ssyncadd.s32 $0xFFFFE000  }
0x1c1: {  	_ =	swait.ge [sflag:s12], $0x2000  }
0x1c2: {  	[sflag:s12] =	ssyncset.done $0x0  }
0x1c3: {  	s13 =	simm.s32 $0xB;
	[sflag:s12] =	ssyncadd.s32 $0xFFFFE000  }
0x1c4: {  	_ =	swait.ge [sflag:s13], $0x2000  }
0x1c5: {  	[sflag:s13] =	ssyncset.done $0x0  }
0x1c6: {  	s16 =	simm.s32 $0xC;
	[sflag:s13] =	ssyncadd.s32 $0xFFFFE000  }
0x1c7: {  	_ =	swait.ge [sflag:s16], $0x2000  }
0x1c8: {  	[sflag:s16] =	ssyncset.done $0x0  }
0x1c9: {  	s26 =	simm.s32 $0xD;
	[sflag:s16] =	ssyncadd.s32 $0xFFFFE000  }
0x1ca: {  	_ =	swait.ge [sflag:s26], $0x2000  }
0x1cb: {  	[sflag:s26] =	ssyncset.done $0x0  }
0x1cc: {  	s31 =	simm.s32 $0xE;
	[sflag:s26] =	ssyncadd.s32 $0xFFFFE000  }
0x1cd: {  	_ =	swait.ge [sflag:s31], $0x2000  }
0x1ce: {  	s12 =	rddreg [dreg:$0x12]  }
0x1cf: {  	s12 =	sadd.s32 $0xF, s12  }
0x1d0: {  	s16 =	sand.u32 $0xF, s12  }
0x1d1: {  	s26 =	sshra.s32 s12, $0x1F;
	p1 =	slt.s32 s12, $0x1;
	p0 =	sne.s32 s16, $0x0  }
0x1d2: {  	s16 =	sshrl.u32 s26, $0x1C;
	p0 =	por !p1, !p0  }
0x1d3: {  	s12 =	sadd.s32 s16, s12;
	s16 =	simm.s32 $0x1;
	p0 =	por !p0, !p0  }
0x1d4: {  	[sflag:s31] =	ssyncset.done $0x0;
	s12 =	sshra.s32 s12, $0x4;
	s16 =	simm.s32 @!p0 $0x0  }
0x1d5: {  	s13 =	simm.s32 $0xF;
	[sflag:s31] =	ssyncadd.s32 $0xFFFFE000;
	s12 =	ssub.s32 s12, s16  }
0x1d6: {  	_ =	swait.ge [sflag:s13], $0x2000;
	p0 =	slt.s32 s12, $0x1  }
.Ltmp4:
0x1d7: {  	[sflag:s13] =	ssyncset.done $0x0;
	(pc) =	sbr.rel @p0 .LBB2_9-.Ltmp4, $4  }
0x1d8: {  	s31 =	simm.s32 $0x10;
	[sflag:s13] =	ssyncadd.s32 $0xFFFFE000  }
0x1d9: {  	_ =	swait.ge [sflag:s31], $0x2000  }
0x1da: {  	s30 =	simm.s32 $0x14400;
	[sflag:s31] =	ssyncset.done $0x0  }
0x1db: {  	s29 =	simm.s32 $0x8C00;
	[sflag:s31] =	ssyncadd.s32 $0xFFFFE000;
	s16 =	rddreg [dreg:$0x11]  }
0x1dc: {  	v5 =	vld [tilespmem:s30+$0x0];
	_ =	sdelay $0x4  }
0x1dd: {  	v6 =	vshll.u32 v5, $0x3  }
0x1de: {  	v7 =	vand.u32 $0x7, v5;
	v6 =	vand.u32 $0x1FC0, v6  }
0x1df: {  	v6 =	vor.u32 v7, v6  }
0x1e0: {  	v7 =	vperm.xlane v6, v0;
	_ =	sdelay $0x1  }
0x1e1: {  	v7 =	vadd.s32 v1, v7;
	_ =	sdelay $0x4  }
0x1e2: {  	[tilespmem:s25], [sflag:$0x11] =	stream.indirect_vreg.gather [hbm4b:s5+s4], $0x80, v7, vm0, $0xb8;
	[tilespmem:$0x14880] =	vst v63  }
0x1e3: {  	v6 =	vperm.xlane v6, v4  }
0x1e4: {  	[tilespmem:s28], [sflag:$0x11] =	stream.indirect_vreg.gather [hbm4b:s18+s4], $0x80, v7, vm0, $0xb8;
	[tilespmem:$0x14880] =	vst v63  }
0x1e5: {  	v6 =	vadd.s32 v1, v6  }
0x1e6: {  	[tilespmem:s6], [sflag:$0x11] =	stream.indirect_vreg.gather [hbm4b:s19+s4], $0x80, v7, vm0, $0xb8;
	[tilespmem:$0x14880] =	vst v63  }
0x1e7: {  	_ = 	snop  }
0x1e8: {  	[tilespmem:s11], [sflag:$0x11] =	stream.indirect_vreg.gather [hbm4b:s20+s4], $0x80, v7, vm0, $0xb8;
	[tilespmem:$0x14880] =	vst v63  }
0x1e9: {  	v5 =	vshra.s32 v5, $0xA  }
0x1ea: {  	v7 =	vshll.u32 v5, $0x3;
	[tilespmem:s14], [sflag:$0x11] =	stream.indirect_vreg.gather [hbm4b:s5+s4], $0x80, v6, vm0, $0xb8;
	[tilespmem:$0x14880] =	vst v63  }
0x1eb: {  	v5 =	vand.u32 $0x7, v5;
	v7 =	vand.u32 $0xFFFFFFC0, v7  }
0x1ec: {  	v5 =	vor.u32 v5, v7;
	[tilespmem:s15], [sflag:$0x11] =	stream.indirect_vreg.gather [hbm4b:s18+s4], $0x80, v6, vm0, $0xb8;
	[tilespmem:$0x14880] =	vst v63  }
0x1ed: {  	v7 =	vperm.xlane v5, v0  }
0x1ee: {  	[tilespmem:s17], [sflag:$0x11] =	stream.indirect_vreg.gather [hbm4b:s19+s4], $0x80, v6, vm0, $0xb8;
	[tilespmem:$0x14880] =	vst v63  }
0x1ef: {  	v7 =	vadd.s32 v1, v7  }
0x1f0: {  	[tilespmem:s10], [sflag:$0x11] =	stream.indirect_vreg.gather [hbm4b:s20+s4], $0x80, v6, vm0, $0xb8;
	[tilespmem:$0x14880] =	vst v63  }
0x1f1: {  	_ =	swait.ge [sflag:s21], $0x4000  }
0x1f2: {  	[sflag:s21] =	ssyncset.done $0x0  }
0x1f3: {  	[sflag:s21] =	ssyncadd.s32 $0xFFFFC000  }
0x1f4: {  	[hbm4b:s2+s4] =	stream.indirect_vreg.scatter [tilespmem:s25], [sflag:$0x11], $0x80, v7, vm0, $0xb8;
	[tilespmem:$0x14880] =	vst v63  }
0x1f5: {  	v5 =	vperm.xlane v5, v4  }
0x1f6: {  	[hbm4b:s22+s4] =	stream.indirect_vreg.scatter [tilespmem:s28], [sflag:$0x11], $0x80, v7, vm0, $0xb8;
	[tilespmem:$0x14880] =	vst v63  }
0x1f7: {  	v5 =	vadd.s32 v1, v5  }
0x1f8: {  	[hbm4b:s23+s4] =	stream.indirect_vreg.scatter [tilespmem:s6], [sflag:$0x11], $0x80, v7, vm0, $0xb8;
	[tilespmem:$0x14880] =	vst v63  }
0x1f9: {  	_ = 	snop  }
0x1fa: {  	[hbm4b:s24+s4] =	stream.indirect_vreg.scatter [tilespmem:s11], [sflag:$0x11], $0x80, v7, vm0, $0xb8;
	[tilespmem:$0x14880] =	vst v63  }
0x1fb: {  	_ = 	snop  }
0x1fc: {  	[hbm4b:s2+s4] =	stream.indirect_vreg.scatter [tilespmem:s14], [sflag:$0x11], $0x80, v5, vm0, $0xb8;
	[tilespmem:$0x14880] =	vst v63  }
0x1fd: {  	_ = 	snop  }
0x1fe: {  	[hbm4b:s22+s4] =	stream.indirect_vreg.scatter [tilespmem:s15], [sflag:$0x11], $0x80, v5, vm0, $0xb8;
	[tilespmem:$0x14880] =	vst v63  }
0x1ff: {  	p0 =	sne.s32 s12, $0x1  }
0x200: {  	[hbm4b:s23+s4] =	stream.indirect_vreg.scatter [tilespmem:s17], [sflag:$0x11], $0x80, v5, vm0, $0xb8;
	[tilespmem:$0x14880] =	vst v63  }
.Ltmp5:
0x201: {  	_ = 	snop;
	(pc) =	sbr.rel @!p0 .LBB2_8-.Ltmp5, $4  }
0x202: {  	_ = 	snop  }
0x203: {  	[hbm4b:s24+s4] =	stream.indirect_vreg.scatter [tilespmem:s10], [sflag:$0x11], $0x80, v5, vm0, $0xb8;
	[tilespmem:$0x14880] =	vst v63  }
0x204: {  	_ =	swait.ge [sflag:s21], $0x4000  }
0x205: {  	s31 =	sadd.s32 $0xFFFFFFFF, s12;
	[sflag:s21] =	ssyncset.done $0x0  }
.LBB2_7:
0x206: {  	p0 =	sne.s32 s31, $0x1;
	[sflag:s21] =	ssyncadd.s32 $0xFFFFC000;
	s30 =	sadd.s32 $0x10, s30  }
0x207: {  	s31 =	sadd.s32 $0xFFFFFFFF, s31  }
0x208: {  	v5 =	vld [tilespmem:s30+$0x0];
	_ =	sdelay $0x4  }
0x209: {  	v6 =	vshra.s32 v5, $0xA;
	v7 =	vshll.u32 v5, $0x3  }
0x20a: {  	v5 =	vand.u32 $0x7, v5;
	v7 =	vand.u32 $0x1FC0, v7;
	v8 =	vshll.u32 v6, $0x3  }
0x20b: {  	v6 =	vand.u32 $0x7, v6;
	v5 =	vor.u32 v5, v7;
	v7 =	vand.u32 $0xFFFFFFC0, v8  }
0x20c: {  	v8 =	vperm.xlane v5, v0;
	v5 =	vperm.xlane v5, v4;
	v6 =	vor.u32 v6, v7  }
0x20d: {  	v7 =	vperm.xlane v6, v0;
	v6 =	vperm.xlane v6, v4  }
0x20e: {  	v8 =	vadd.s32 v1, v8;
	_ =	sdelay $0x4  }
0x20f: {  	[tilespmem:s25], [sflag:$0x11] =	stream.indirect_vreg.gather [hbm4b:s5+s4], $0x80, v8, vm0, $0xb8;
	[tilespmem:$0x14880] =	vst v63  }
0x210: {  	_ = 	snop  }
0x211: {  	[tilespmem:s28], [sflag:$0x11] =	stream.indirect_vreg.gather [hbm4b:s18+s4], $0x80, v8, vm0, $0xb8;
	[tilespmem:$0x14880] =	vst v63  }
0x212: {  	v5 =	vadd.s32 v1, v5  }
0x213: {  	[tilespmem:s6], [sflag:$0x11] =	stream.indirect_vreg.gather [hbm4b:s19+s4], $0x80, v8, vm0, $0xb8;
	[tilespmem:$0x14880] =	vst v63  }
0x214: {  	_ = 	snop  }
0x215: {  	[tilespmem:s11], [sflag:$0x11] =	stream.indirect_vreg.gather [hbm4b:s20+s4], $0x80, v8, vm0, $0xb8;
	[tilespmem:$0x14880] =	vst v63  }
0x216: {  	_ = 	snop  }
0x217: {  	[tilespmem:s14], [sflag:$0x11] =	stream.indirect_vreg.gather [hbm4b:s5+s4], $0x80, v5, vm0, $0xb8;
	[tilespmem:$0x14880] =	vst v63  }
0x218: {  	_ = 	snop  }
0x219: {  	[tilespmem:s15], [sflag:$0x11] =	stream.indirect_vreg.gather [hbm4b:s18+s4], $0x80, v5, vm0, $0xb8;
	[tilespmem:$0x14880] =	vst v63  }
0x21a: {  	_ = 	snop  }
0x21b: {  	[tilespmem:s17], [sflag:$0x11] =	stream.indirect_vreg.gather [hbm4b:s19+s4], $0x80, v5, vm0, $0xb8;
	[tilespmem:$0x14880] =	vst v63  }
0x21c: {  	v7 =	vadd.s32 v1, v7  }
0x21d: {  	[tilespmem:s10], [sflag:$0x11] =	stream.indirect_vreg.gather [hbm4b:s20+s4], $0x80, v5, vm0, $0xb8;
	[tilespmem:$0x14880] =	vst v63  }
0x21e: {  	_ =	swait.ge [sflag:s21], $0x4000  }
0x21f: {  	[sflag:s21] =	ssyncset.done $0x0  }
0x220: {  	[sflag:s21] =	ssyncadd.s32 $0xFFFFC000  }
0x221: {  	[hbm4b:s2+s4] =	stream.indirect_vreg.scatter [tilespmem:s25], [sflag:$0x11], $0x80, v7, vm0, $0xb8;
	[tilespmem:$0x14880] =	vst v63  }
0x222: {  	_ = 	snop  }
0x223: {  	[hbm4b:s22+s4] =	stream.indirect_vreg.scatter [tilespmem:s28], [sflag:$0x11], $0x80, v7, vm0, $0xb8;
	[tilespmem:$0x14880] =	vst v63  }
0x224: {  	v5 =	vadd.s32 v1, v6  }
0x225: {  	[hbm4b:s23+s4] =	stream.indirect_vreg.scatter [tilespmem:s6], [sflag:$0x11], $0x80, v7, vm0, $0xb8;
	[tilespmem:$0x14880] =	vst v63  }
0x226: {  	_ = 	snop  }
0x227: {  	[hbm4b:s24+s4] =	stream.indirect_vreg.scatter [tilespmem:s11], [sflag:$0x11], $0x80, v7, vm0, $0xb8;
	[tilespmem:$0x14880] =	vst v63  }
0x228: {  	_ = 	snop  }
0x229: {  	[hbm4b:s2+s4] =	stream.indirect_vreg.scatter [tilespmem:s14], [sflag:$0x11], $0x80, v5, vm0, $0xb8;
	[tilespmem:$0x14880] =	vst v63  }
0x22a: {  	_ = 	snop  }
0x22b: {  	[hbm4b:s22+s4] =	stream.indirect_vreg.scatter [tilespmem:s15], [sflag:$0x11], $0x80, v5, vm0, $0xb8;
	[tilespmem:$0x14880] =	vst v63  }
0x22c: {  	_ = 	snop  }
0x22d: {  	[hbm4b:s23+s4] =	stream.indirect_vreg.scatter [tilespmem:s17], [sflag:$0x11], $0x80, v5, vm0, $0xb8;
	[tilespmem:$0x14880] =	vst v63  }
.Ltmp6:
0x22e: {  	_ = 	snop;
	(pc) =	sbr.rel @p0 .LBB2_7-.Ltmp6, $4  }
0x22f: {  	_ = 	snop  }
0x230: {  	[hbm4b:s24+s4] =	stream.indirect_vreg.scatter [tilespmem:s10], [sflag:$0x11], $0x80, v5, vm0, $0xb8;
	[tilespmem:$0x14880] =	vst v63  }
0x231: {  	_ =	swait.ge [sflag:s21], $0x4000  }
0x232: {  	[sflag:s21] =	ssyncset.done $0x0  }
.Ltmp7:
0x233: {  	_ = 	snop;
	(pc) =	sbr.rel .LBB2_8-.Ltmp7, $1  }
0x234: {  	_ =	sdelay $0x3  }
.LBB2_10:
0x235: {  	_ =	sfence.sel $0x180000  }
0x236: {  	[bflag:$0x0] =	sbarrier.arrive $0xFFFF  }
0x237: {  	_ =	strace $0x90000047  }
0x238: {  	s0 =	stileid.u32;
	[bflag:$0x2] =	sbarrier.arrive $0xFFFF  }
0x239: {  	p0 =	sne.s32 s0, $0x0;
	s0 =	rddreg [dreg:$0x4]  }
0x23a: {  	s0 =	sadd.s32 @!p0 $0x100000, s0  }
0x23b: {  	[sflag:s0] =	ssyncadd.tile.s32 @!p0 $0x1;
	_ =	shalt  }
.Lfunc_end2:
_tile_overlayer_lowered:
.L_overlay_start_2:
0x23c: {  	(tag) =	ssettag $0x2  }
0x23d: {  	s0 =	rddreg [dreg:$0x0];
	s2 =	stileid.u32  }
0x23e: {  	s1 =	rddreg [dreg:$0x1];
	p0 =	sne.s32 s2, $0x0  }
0x23f: {  	s3 =	rddreg [dreg:$0x2];
	[bflag:$0x3] =	sbarrier.arrive $0xFFFF;
	s2 =	simm.s32 @!p0 $0x1C12  }
0x240: {  	[timem:s3], [sflag:s2] =	dma.local @!p0 [hbm:s0], s1  }
0x241: {  	s0 =	simm.s32 @!p0 $0x12  }
0x242: {  	_ =	swait.ge @!p0 [sflag:s0], s1  }
0x243: {  	s1 =	ssub.s32 @!p0 $0x0, s1;
	[sflag:s0] =	ssyncset.done @!p0 $0x0  }
0x244: {  	[sflag:s0] =	ssyncadd.s32 @!p0 s1  }
0x245: {  	[bflag:$0x3] =	sbarrier.arrive $0xFFFF  }
0x246: {  	_ =	shalt  }

</sc_bundles>
